<compile_context>
chip_gen: v7x
topology: tpu7x:2x2x1
jax: 0.10.2.dev20260603
libtpu: 0.0.44.dev20260713+nightly
codegen_flags: <defaults>
</compile_context>

<pallas_src>
import functools

import jax
import jax.numpy as jnp
import numpy as np
from jax import lax
from jax.experimental import pallas as pl
from jax.experimental.pallas import tpu as pltpu
from jax.experimental.pallas import tpu_sc as plsc

_N = 16384
_NPOINT = 1024
_K = 32
_R2 = 0.25
_CH = 2048
_NCH = _N // _CH
_CB = 128
_NB = _NPOINT // _CB
_NC, _NS = 2, 16
_NW = _NC * _NS
_BPW = (_NPOINT * _K) // _NW
_D_IN = 67
_DPAD = 128
_H1, _H2 = 64, 128


def _fps_body(x_ref, y_ref, z_ref, sel_ref, nx_ref, ny_ref, nz_ref, dscr):
    flat = (lax.broadcasted_iota(jnp.int32, (128, 128), 0) * 128
            + lax.broadcasted_iota(jnp.int32, (128, 128), 1))
    srow = lax.broadcasted_iota(jnp.int32, (8, 128), 0)
    scol = lax.broadcasted_iota(jnp.int32, (8, 128), 1)
    zf32 = jnp.float32(0)
    inf32 = jnp.float32(jnp.inf)
    dscr[...] = jnp.full((128, 128), jnp.inf, jnp.float32)

    def body(i, carry):
        farv, xfv, yfv, zfv, sel, nx, ny, nz = carry
        ir = i // 128
        ic = i - ir * 128
        ohs = (srow == ir) & (scol == ic)
        sel = jnp.where(ohs, farv, sel)
        nx = jnp.where(ohs, xfv, nx)
        ny = jnp.where(ohs, yfv, ny)
        nz = jnp.where(ohs, zfv, nz)
        dx = x_ref[...] - xfv
        acc = dx * dx
        dy = y_ref[...] - yfv
        acc = acc + dy * dy
        dz = z_ref[...] - zfv
        d = acc + dz * dz
        dist = jnp.minimum(dscr[...], d)
        dscr[...] = dist
        m = jnp.max(dist, keepdims=True)
        eq = dist == m
        farv_n = jnp.min(jnp.where(eq, flat, _N), keepdims=True)
        cnt = jnp.sum(eq.astype(jnp.int32))
        xf0 = jnp.min(jnp.where(eq, x_ref[...], inf32), keepdims=True)
        yf0 = jnp.min(jnp.where(eq, y_ref[...], inf32), keepdims=True)
        zf0 = jnp.min(jnp.where(eq, z_ref[...], inf32), keepdims=True)

        def exact(_):
            ohf = flat == farv_n
            xe = jnp.sum(jnp.where(ohf, x_ref[...], zf32), keepdims=True)
            ye = jnp.sum(jnp.where(ohf, y_ref[...], zf32), keepdims=True)
            ze = jnp.sum(jnp.where(ohf, z_ref[...], zf32), keepdims=True)
            return xe, ye, ze

        def fast(_):
            return xf0, yf0, zf0

        xfn, yfn, zfn = lax.cond(cnt > 1, exact, fast, 0)
        return farv_n, xfn, yfn, zfn, sel, nx, ny, nz

    init = (jnp.zeros((1, 1), jnp.int32),
            x_ref[0:1, 0:1], y_ref[0:1, 0:1], z_ref[0:1, 0:1],
            jnp.zeros((8, 128), jnp.int32),
            jnp.zeros((8, 128), jnp.float32),
            jnp.zeros((8, 128), jnp.float32),
            jnp.zeros((8, 128), jnp.float32))
    out = lax.fori_loop(0, _NPOINT, body, init)
    _, _, _, _, sel, nx, ny, nz = out
    sel_ref[...] = sel
    nx_ref[...] = nx
    ny_ref[...] = ny
    nz_ref[...] = nz


def _run_fps(x2d, y2d, z2d):
    out_shape = [
        jax.ShapeDtypeStruct((8, 128), jnp.int32),
        jax.ShapeDtypeStruct((8, 128), jnp.float32),
        jax.ShapeDtypeStruct((8, 128), jnp.float32),
        jax.ShapeDtypeStruct((8, 128), jnp.float32),
    ]
    return pl.pallas_call(
        _fps_body, out_shape=out_shape,
        scratch_shapes=[pltpu.VMEM((128, 128), jnp.float32)],
    )(x2d, y2d, z2d)


def _dist_body(x3_ref, y3_ref, z3_ref, ncx_ref, ncy_ref, ncz_ref, d_ref):
    j = pl.program_id(1)
    cx = ncx_ref[...]
    cy = ncy_ref[...]
    cz = ncz_ref[...]
    dx = cx - x3_ref[j]
    dy = cy - y3_ref[j]
    dz = cz - z3_ref[j]
    d = (dx * dx + dy * dy) + dz * dz
    d_ref[...] = jnp.where(d > _R2, 1e9, d)


def _run_dist(x3, y3, z3, ncx, ncy, ncz):
    return pl.pallas_call(
        _dist_body,
        grid=(_NB, _NCH),
        in_specs=[
            pl.BlockSpec((_NCH, 1, _CH), lambda b, j: (0, 0, 0)),
            pl.BlockSpec((_NCH, 1, _CH), lambda b, j: (0, 0, 0)),
            pl.BlockSpec((_NCH, 1, _CH), lambda b, j: (0, 0, 0)),
            pl.BlockSpec((_CB, 1), lambda b, j: (b, 0)),
            pl.BlockSpec((_CB, 1), lambda b, j: (b, 0)),
            pl.BlockSpec((_CB, 1), lambda b, j: (b, 0)),
        ],
        out_specs=pl.BlockSpec((_CB, _CH), lambda b, j: (b, j)),
        out_shape=jax.ShapeDtypeStruct((_NPOINT, _N), jnp.float32),
    )(x3, y3, z3, ncx, ncy, ncz)


_CAP = 1024
_RPW = _NPOINT // _NW


def _compact_body(d_hbm, cval_hbm, cidx_hbm, row_a, row_b, cv_v, ci_v, sem):
    wid = lax.axis_index("s") * _NC + lax.axis_index("c")
    inf16 = jnp.full((16,), jnp.inf, jnp.float32)
    neg16 = jnp.full((16,), -1, jnp.int32)
    iota16 = lax.iota(jnp.int32, 16)
    base = wid * _RPW

    def start(row, buf):
        pltpu.async_copy(d_hbm.at[row], buf, sem)

    def wait(row, buf):
        pltpu.make_async_copy(d_hbm.at[row], buf, sem).wait()

    def process(buf, row):
        def initb(t, _):
            cv_v[pl.ds(t * 16, 16)] = inf16
            ci_v[pl.ds(t * 16, 16)] = neg16
            return 0

        lax.fori_loop(0, _CAP // 16, initb, 0)

        @plsc.parallel_loop(0, _N // 16, unroll=8,
                            carry=jnp.zeros((16,), jnp.int32))
        def scan(v, cnt_vec):
            x = buf[pl.ds(v * 16, 16)]
            mask = x < 1e9
            m01 = jnp.where(mask, jnp.int32(1), jnp.int32(0))
            pos = cnt_vec + plsc.cumsum(m01) - 1
            pos = jnp.minimum(pos, _CAP - 1)
            plsc.store_scatter(cv_v, [pos], x, mask=mask)
            plsc.store_scatter(ci_v, [pos], iota16 + v * 16, mask=mask)
            return cnt_vec + plsc.all_reduce_population_count(mask)

        pltpu.sync_copy(cv_v, cval_hbm.at[row])
        pltpu.sync_copy(ci_v, cidx_hbm.at[row])

    start(base, row_a)

    def do_pair(p, _):
        r0 = base + 2 * p
        wait(r0, row_a)
        start(r0 + 1, row_b)
        process(row_a, r0)
        wait(r0 + 1, row_b)

        @pl.when(p + 1 < _RPW // 2)
        def _():
            start(r0 + 2, row_a)

        process(row_b, r0 + 1)
        return 0

    lax.fori_loop(0, _RPW // 2, do_pair, 0)


def _run_compact(d):
    compact = pl.kernel(
        _compact_body,
        out_type=(jax.ShapeDtypeStruct((_NPOINT, _CAP), jnp.float32),
                  jax.ShapeDtypeStruct((_NPOINT, _CAP), jnp.int32)),
        mesh=plsc.VectorSubcoreMesh(core_axis_name="c",
                                    subcore_axis_name="s",
                                    num_cores=_NC, num_subcores=_NS),
        scratch_types=[
            pltpu.VMEM((_N,), jnp.float32),
            pltpu.VMEM((_N,), jnp.float32),
            pltpu.VMEM((_CAP,), jnp.float32),
            pltpu.VMEM((_CAP,), jnp.int32),
            pltpu.SemaphoreType.DMA,
        ],
        compiler_params=pltpu.CompilerParams(needs_layout_passes=False),
    )
    return compact(d)


def _sel_body(cval_ref, cidx_ref, d0_ref, out_ref, cv, fv):
    cidx = cidx_ref[...]
    cv[...] = cval_ref[...]
    d0 = d0_ref[...]
    flane = lax.broadcasted_iota(jnp.int32, (_CB, 128), 1)
    fv[...] = jnp.where(d0 == 1e9, 1e9, jnp.inf)
    lanek = lax.broadcasted_iota(jnp.int32, (_CB, _K), 1)

    def step(k, kidx):
        c = cv[...]
        f = fv[...]
        m = jnp.minimum(jnp.min(c, axis=1, keepdims=True),
                        jnp.min(f, axis=1, keepdims=True))
        a = jnp.minimum(
            jnp.min(jnp.where(c == m, cidx, _N), axis=1, keepdims=True),
            jnp.min(jnp.where(f == m, flane, _N), axis=1, keepdims=True))
        cv[...] = jnp.where(cidx == a, jnp.inf, c)
        fv[...] = jnp.where(flane == a, jnp.inf, f)
        return jnp.where(lanek == k, a, kidx)

    out_ref[...] = lax.fori_loop(0, _K, step,
                                 jnp.zeros((_CB, _K), jnp.int32))


def _run_select(cval, cidx, d):
    return pl.pallas_call(
        _sel_body,
        grid=(_NB,),
        in_specs=[
            pl.BlockSpec((_CB, _CAP), lambda b: (b, 0)),
            pl.BlockSpec((_CB, _CAP), lambda b: (b, 0)),
            pl.BlockSpec((_CB, 128), lambda b: (b, 0)),
        ],
        out_specs=pl.BlockSpec((_CB, _K), lambda b: (b, 0)),
        out_shape=jax.ShapeDtypeStruct((_NPOINT, _K), jnp.int32),
        scratch_shapes=[pltpu.VMEM((_CB, _CAP), jnp.float32),
                        pltpu.VMEM((_CB, 128), jnp.float32)],
    )(cval, cidx, d)


_GH = 512


def _gather_body(table_hbm, idx_hbm, out_hbm, idx_v, rows_v, sem):
    wid = lax.axis_index("s") * _NC + lax.axis_index("c")
    base = wid * _BPW
    pltpu.sync_copy(idx_hbm.at[wid], idx_v)
    for h in range(_BPW // _GH):
        copies = []
        for j in range(_GH // 128):
            copies.append(pltpu.async_copy(
                table_hbm.at[idx_v.at[h * (_GH // 128) + j]],
                rows_v.at[pl.ds(j * 128, 128)], sem))
        for c in copies:
            c.wait()
        pltpu.sync_copy(rows_v, out_hbm.at[pl.ds(base + h * _GH, _GH)])


def _run_gather(table, idx3):
    gather = pl.kernel(
        _gather_body,
        out_type=jax.ShapeDtypeStruct((_NPOINT * _K, _DPAD), jnp.float32),
        mesh=plsc.VectorSubcoreMesh(core_axis_name="c",
                                    subcore_axis_name="s",
                                    num_cores=_NC, num_subcores=_NS),
        scratch_types=[
            pltpu.VMEM((_BPW // 128, 128), jnp.int32),
            pltpu.VMEM((_GH, _DPAD), jnp.float32),
            pltpu.SemaphoreType.DMA,
        ],
    )
    return gather(table, idx3)


def _gelu(x):
    return 0.5 * x * (1.0 + lax.erf(x * np.float32(1.0 / np.sqrt(2.0))))


def _mlp_body(g_ref, sub_ref, w1_ref, b1_ref, w2_ref, b2_ref, out_ref):
    k = pl.program_id(0)
    xb = g_ref[...] - sub_ref[...]
    h = jnp.dot(xb, w1_ref[...], preferred_element_type=jnp.float32)
    h = _gelu(h + b1_ref[...])
    h = jnp.dot(h, w2_ref[...], preferred_element_type=jnp.float32)
    h = _gelu(h + b2_ref[...])

    @pl.when(k == 0)
    def _():
        out_ref[...] = h

    @pl.when(k != 0)
    def _():
        out_ref[...] = jnp.maximum(out_ref[...], h)


def _run_mlp(g, subpad, w1p, b1, w2, b2):
    return pl.pallas_call(
        _mlp_body,
        grid=(_K,),
        in_specs=[
            pl.BlockSpec((_NPOINT, _DPAD), lambda k: (k, 0)),
            pl.BlockSpec((_NPOINT, _DPAD), lambda k: (0, 0)),
            pl.BlockSpec((_DPAD, _H1), lambda k: (0, 0)),
            pl.BlockSpec((1, _H1), lambda k: (0, 0)),
            pl.BlockSpec((_H1, _H2), lambda k: (0, 0)),
            pl.BlockSpec((1, _H2), lambda k: (0, 0)),
        ],
        out_specs=pl.BlockSpec((_NPOINT, _H2), lambda k: (0, 0)),
        out_shape=jax.ShapeDtypeStruct((_NPOINT, _H2), jnp.float32),
    )(g, subpad, w1p, b1, w2, b2)


def kernel(xyz, feat, W1, b1, W2, b2):
    x2d = xyz[:, 0].reshape(128, 128)
    y2d = xyz[:, 1].reshape(128, 128)
    z2d = xyz[:, 2].reshape(128, 128)

    _, nx, ny, nz = _run_fps(x2d, y2d, z2d)
    new_xyz = jnp.stack(
        [nx.reshape(_NPOINT), ny.reshape(_NPOINT), nz.reshape(_NPOINT)],
        axis=1)

    x3 = x2d.reshape(_NCH, 1, _CH)
    y3 = y2d.reshape(_NCH, 1, _CH)
    z3 = z2d.reshape(_NCH, 1, _CH)
    d = _run_dist(x3, y3, z3,
                  nx.reshape(_NPOINT, 1), ny.reshape(_NPOINT, 1),
                  nz.reshape(_NPOINT, 1))
    cval, cidx = _run_compact(d)
    group_idx = _run_select(cval, cidx, d)

    idx3 = group_idx.T.reshape(_NW, _BPW // 128, 128)
    table = jnp.pad(jnp.concatenate([xyz, feat], axis=1),
                    ((0, 0), (0, _DPAD - _D_IN)))
    g = _run_gather(table, idx3)

    subpad = jnp.pad(new_xyz, ((0, 0), (0, _DPAD - 3)))
    w1p = jnp.pad(W1, ((0, _DPAD - _D_IN), (0, 0)))
    out = _run_mlp(g, subpad, w1p, b1.reshape(1, _H1), W2,
                   b2.reshape(1, _H2))
    return (new_xyz, out)

# --- scband reference (transcript-rebuilt; emitter-appended) ---
"""Pipeline reference for scband-sa-3908420240282 (READ-ONLY COPY).

The authoritative reference and input builder live on the scoring server;
editing this copy changes nothing except your own understanding.
"""

import jax, jax.numpy as jnp
import numpy as np

NPOINT = 1024
RADIUS = 0.5
NSAMPLE = 32
N = 16384
IN_DIM = 64
MLP_DIMS = [64, 128]


def _fps(xyz, npoint):
    n = xyz.shape[0]

    def body(i, state):
        sel, dist, far = state
        sel = sel.at[i].set(far)
        d = jnp.sum((xyz - xyz[far]) ** 2, axis=-1)
        dist = jnp.minimum(dist, d)
        far = jnp.argmax(dist).astype(jnp.int32)
        return (sel, dist, far)

    sel0 = jnp.zeros((npoint,), dtype=jnp.int32)
    dist0 = jnp.full((n,), jnp.inf, dtype=xyz.dtype)
    sel, _, _ = jax.lax.fori_loop(0, npoint, body, (sel0, dist0, jnp.int32(0)))
    return sel


def _ball_query(radius, nsample, xyz, new_xyz):
    diff = new_xyz[:, None, :] - xyz[None, :, :]
    dist2 = jnp.sum(diff * diff, axis=-1)
    dist2 = jnp.where(dist2 > radius ** 2, 1e9, dist2)
    k = min(nsample, xyz.shape[0])
    _, idx = jax.lax.top_k(-dist2, k)
    return idx


def setup_inputs(seed: int = 0):
    key = jax.random.key(seed)
    k1, k2, k3, k4 = jax.random.split(key, 4)
    xyz = jax.random.normal(k1, (N, 3), dtype=jnp.float32)
    feat = jax.random.normal(k2, (N, IN_DIM), dtype=jnp.float32)
    d_in = 3 + IN_DIM
    W1 = jax.random.normal(k3, (d_in, MLP_DIMS[0]), dtype=jnp.float32) / np.sqrt(d_in)
    b1 = jnp.zeros((MLP_DIMS[0],), dtype=jnp.float32)
    W2 = jax.random.normal(k4, (MLP_DIMS[0], MLP_DIMS[1]), dtype=jnp.float32) / np.sqrt(MLP_DIMS[0])
    b2 = jnp.zeros((MLP_DIMS[1],), dtype=jnp.float32)
    return {"xyz": xyz, "feat": feat, "W1": W1, "b1": b1, "W2": W2, "b2": b2}


def reference(xyz, feat, W1, b1, W2, b2):
    npoint = min(NPOINT, xyz.shape[0])
    idx_cent = _fps(xyz, npoint)
    new_xyz = xyz[idx_cent]
    group_idx = _ball_query(RADIUS, NSAMPLE, xyz, new_xyz)
    M, K = group_idx.shape
    g_xyz = xyz[group_idx] - new_xyz[:, None, :]
    g_in = jnp.concatenate([g_xyz, feat[group_idx]], axis=-1)
    h = g_in.reshape(M * K, -1)
    h = jax.nn.gelu(h @ W1 + b1, approximate=False)
    h = jax.nn.gelu(h @ W2 + b2, approximate=False)
    out = h.reshape(M, K, MLP_DIMS[-1])
    return (new_xyz, jnp.max(out, axis=1))

if __name__ == "__main__":
    import jax
    _d = setup_inputs()
    print(jax.jit(kernel)(*tuple(_d.values())))

</pallas_src>

<mosaic_0001>
#map = affine_map<(d0, d1) -> (0, 0)>
module attributes {stable_mosaic.version = 14 : i64} {
  func.func @_compact_body(%arg0: i32, %arg1: i32, %arg2: memref<1024x16384xf32, #tpu.memory_space<hbm>>, %arg3: memref<1024x1024xf32, #tpu.memory_space<hbm>>, %arg4: memref<1024x1024xi32, #tpu.memory_space<hbm>>, %arg5: memref<16384xf32, #tpu.memory_space<vmem>>, %arg6: memref<16384xf32, #tpu.memory_space<vmem>>, %arg7: memref<1024xf32, #tpu.memory_space<vmem>>, %arg8: memref<1024xi32, #tpu.memory_space<vmem>>, %arg9: memref<!tpu.dma_semaphore, #tpu.memory_space<semaphore_mem>>) attributes {dimension_semantics = [#tpu.dimension_semantics<core_parallel>, #tpu.dimension_semantics<subcore_parallel>], iteration_bounds = array<i64: 2, 16>, scalar_prefetch = 0 : i64, scratch_operands = 5 : i64, tpu.core_type = #tpu.core_type<sc_vector_subcore>, window_params = [{transform_indices = #map}, {transform_indices = #map}, {transform_indices = #map}]} {
    %mul3A = arith.constant 2 : i32
    %mul3A_0 = arith.muli %arg1, %mul3A : i32
    %add3A = arith.addi %mul3A_0, %arg0 : i32
    %broadcast_in_dim3A = arith.constant 0x7F800000 : f32
    %broadcast_in_dim3A_1 = vector.broadcast %broadcast_in_dim3A : f32 to vector<16xf32>
    %broadcast_in_dim3A_2 = arith.constant -1 : i32
    %broadcast_in_dim3A_3 = vector.broadcast %broadcast_in_dim3A_2 : i32 to vector<16xi32>
    %iota3A = tpu.iota {dimensions = array<i32: 0>} : vector<16xi32>
    %mul3A_4 = arith.constant 32 : i32
    %mul3A_5 = arith.muli %add3A, %mul3A_4 : i32
    %dma_start3A = arith.constant 0 : i32
    %dma_start3A_6 = tpu.memref_slice %arg2[%mul3A_5, %dma_start3A] : memref<1024x16384xf32, #tpu.memory_space<hbm>> -> memref<1x16384xf32, #tpu.memory_space<hbm>>
    %dma_start3A_7 = tpu.memref_squeeze %dma_start3A_6 : memref<1x16384xf32, #tpu.memory_space<hbm>> -> memref<16384xf32, #tpu.memory_space<hbm>>
    %dma_start3A_8 = arith.constant 0 : i32
    %dma_start3A_9 = tpu.memref_slice %arg2[%mul3A_5, %dma_start3A_8] : memref<1024x16384xf32, #tpu.memory_space<hbm>> -> memref<1x16384xf32, #tpu.memory_space<hbm>>
    %dma_start3A_10 = tpu.memref_squeeze %dma_start3A_9 : memref<1x16384xf32, #tpu.memory_space<hbm>> -> memref<16384xf32, #tpu.memory_space<hbm>>
    tpu.enqueue_dma source(%dma_start3A_10 : memref<16384xf32, #tpu.memory_space<hbm>>) target(%arg5 : memref<16384xf32, #tpu.memory_space<vmem>>) target_semaphore(%arg9 : memref<!tpu.dma_semaphore, #tpu.memory_space<semaphore_mem>>)
    %scan3A = arith.constant 0 : i32
    %scan3A_11 = arith.constant 0 : i32
    %scan3A_12 = arith.constant 16 : i32
    %scan3A_13 = arith.addi %scan3A_11, %scan3A_12 : i32
    %scan3A_14 = arith.constant 1 : i32
    %scan3A_15 = scf.for %scan3A_17 = %scan3A_11 to %scan3A_13 step %scan3A_14 iter_args(%scan3A_18 = %scan3A) -> (i32)  : i32 {
      %mul3A_19 = arith.constant 2 : i32
      %mul3A_20 = arith.muli %mul3A_19, %scan3A_17 : i32
      %add3A_21 = arith.addi %mul3A_5, %mul3A_20 : i32
      %dma_wait3A = arith.constant 0 : i32
      %dma_wait3A_22 = tpu.memref_slice %arg2[%add3A_21, %dma_wait3A] : memref<1024x16384xf32, #tpu.memory_space<hbm>> -> memref<1x16384xf32, #tpu.memory_space<hbm>>
      %dma_wait3A_23 = tpu.memref_squeeze %dma_wait3A_22 : memref<1x16384xf32, #tpu.memory_space<hbm>> -> memref<16384xf32, #tpu.memory_space<hbm>>
      %dma_wait3A_24 = arith.constant 0 : i32
      %dma_wait3A_25 = tpu.memref_slice %arg2[%add3A_21, %dma_wait3A_24] : memref<1024x16384xf32, #tpu.memory_space<hbm>> -> memref<1x16384xf32, #tpu.memory_space<hbm>>
      %dma_wait3A_26 = tpu.memref_squeeze %dma_wait3A_25 : memref<1x16384xf32, #tpu.memory_space<hbm>> -> memref<16384xf32, #tpu.memory_space<hbm>>
      tpu.wait_dma2 semaphore(%arg9 : memref<!tpu.dma_semaphore, #tpu.memory_space<semaphore_mem>>) src(%dma_wait3A_26 : memref<16384xf32, #tpu.memory_space<hbm>>) dst(%arg5 : memref<16384xf32, #tpu.memory_space<vmem>>)
      %add3A_27 = arith.constant 1 : i32
      %add3A_28 = arith.addi %add3A_21, %add3A_27 : i32
      %dma_start3A_29 = arith.constant 0 : i32
      %dma_start3A_30 = tpu.memref_slice %arg2[%add3A_28, %dma_start3A_29] : memref<1024x16384xf32, #tpu.memory_space<hbm>> -> memref<1x16384xf32, #tpu.memory_space<hbm>>
      %dma_start3A_31 = tpu.memref_squeeze %dma_start3A_30 : memref<1x16384xf32, #tpu.memory_space<hbm>> -> memref<16384xf32, #tpu.memory_space<hbm>>
      %dma_start3A_32 = arith.constant 0 : i32
      %dma_start3A_33 = tpu.memref_slice %arg2[%add3A_28, %dma_start3A_32] : memref<1024x16384xf32, #tpu.memory_space<hbm>> -> memref<1x16384xf32, #tpu.memory_space<hbm>>
      %dma_start3A_34 = tpu.memref_squeeze %dma_start3A_33 : memref<1x16384xf32, #tpu.memory_space<hbm>> -> memref<16384xf32, #tpu.memory_space<hbm>>
      tpu.enqueue_dma source(%dma_start3A_34 : memref<16384xf32, #tpu.memory_space<hbm>>) target(%arg6 : memref<16384xf32, #tpu.memory_space<vmem>>) target_semaphore(%arg9 : memref<!tpu.dma_semaphore, #tpu.memory_space<semaphore_mem>>)
      %scan3A_35 = arith.constant 0 : i32
      %scan3A_36 = arith.constant 0 : i32
      %scan3A_37 = arith.constant 64 : i32
      %scan3A_38 = arith.addi %scan3A_36, %scan3A_37 : i32
      %scan3A_39 = arith.constant 1 : i32
      %scan3A_40 = scf.for %scan3A_75 = %scan3A_36 to %scan3A_38 step %scan3A_39 iter_args(%scan3A_76 = %scan3A_35) -> (i32)  : i32 {
        %mul3A_77 = arith.constant 16 : i32
        %mul3A_78 = arith.muli %scan3A_75, %mul3A_77 : i32
        %swap3A = arith.index_cast %mul3A_78 : i32 to index
        %swap3A_79 = tpu.vector_load %arg7[%swap3A] {strides = array<i32>} : memref<1024xf32, #tpu.memory_space<vmem>>, vector<16xf32>,
        tpu.vector_store %arg7[%swap3A], %broadcast_in_dim3A_1 {strides = array<i32>} : memref<1024xf32, #tpu.memory_space<vmem>>, vector<16xf32>,
        %mul3A_80 = arith.constant 16 : i32
        %mul3A_81 = arith.muli %scan3A_75, %mul3A_80 : i32
        %swap3A_82 = arith.index_cast %mul3A_81 : i32 to index
        %swap3A_83 = tpu.vector_load %arg8[%swap3A_82] {strides = array<i32>} : memref<1024xi32, #tpu.memory_space<vmem>>, vector<16xi32>,
        tpu.vector_store %arg8[%swap3A_82], %broadcast_in_dim3A_3 {strides = array<i32>} : memref<1024xi32, #tpu.memory_space<vmem>>, vector<16xi32>,
        %scan3A_84 = arith.constant 0 : i32
        scf.yield %scan3A_84 : i32
      }
      %scan3A_41 = arith.constant 64 : i32
      %broadcast_in_dim3A_42 = arith.constant 0 : i32
      %broadcast_in_dim3A_43 = vector.broadcast %broadcast_in_dim3A_42 : i32 to vector<16xi32>
      %parallel_loop3A = arith.constant 0 : i32
      %parallel_loop3A_44 = arith.constant 1024 : i32
      %parallel_loop3A_45 = arith.constant 1 : i32
      %parallel_loop3A_46 = scf.for %parallel_loop3A_75 = %parallel_loop3A to %parallel_loop3A_44 step %parallel_loop3A_45 iter_args(%parallel_loop3A_76 = %broadcast_in_dim3A_43) -> (vector<16xi32>)  : i32 {
        %parallel_loop3A_77 = arith.constant 16 : i32
        %parallel_loop3A_78 = arith.muli %parallel_loop3A_75, %parallel_loop3A_77 : i32
        %parallel_loop3A_79 = arith.index_cast %parallel_loop3A_78 : i32 to index
        %parallel_loop3A_80 = tpu.vector_load %arg5[%parallel_loop3A_79] {strides = array<i32>} : memref<16384xf32, #tpu.memory_space<vmem>>, vector<16xf32>,
        %parallel_loop3A_81 = arith.constant 1.000000e+09 : f32
        %parallel_loop3A_82 = vector.broadcast %parallel_loop3A_81 : f32 to vector<16xf32>
        %parallel_loop3A_83 = arith.cmpf olt, %parallel_loop3A_80, %parallel_loop3A_82 : vector<16xf32>
        %parallel_loop3A_84 = arith.constant 1 : i32
        %parallel_loop3A_85 = arith.constant 0 : i32
        %parallel_loop3A_86 = vector.broadcast %parallel_loop3A_84 : i32 to vector<16xi32>
        %parallel_loop3A_87 = vector.broadcast %parallel_loop3A_85 : i32 to vector<16xi32>
        %parallel_loop3A_88 = arith.select %parallel_loop3A_83, %parallel_loop3A_86, %parallel_loop3A_87 : vector<16xi1>, vector<16xi32>
        %parallel_loop3A_89 = arith.constant true
        %parallel_loop3A_90 = vector.broadcast %parallel_loop3A_89 : i1 to vector<16xi1>
        %parallel_loop3A_91 = tpu.scan <sum>, %parallel_loop3A_88 masked %parallel_loop3A_90 : vector<16xi32>, vector<16xi1> -> vector<16xi32>
        %parallel_loop3A_92 = arith.addi %parallel_loop3A_76, %parallel_loop3A_91 : vector<16xi32>
        %parallel_loop3A_93 = arith.constant 1 : i32
        %parallel_loop3A_94 = vector.broadcast %parallel_loop3A_93 : i32 to vector<16xi32>
        %parallel_loop3A_95 = arith.subi %parallel_loop3A_92, %parallel_loop3A_94 : vector<16xi32>
        %parallel_loop3A_96 = arith.constant 1023 : i32
        %parallel_loop3A_97 = vector.broadcast %parallel_loop3A_96 : i32 to vector<16xi32>
        %parallel_loop3A_98 = arith.minsi %parallel_loop3A_95, %parallel_loop3A_97 : vector<16xi32>
        tpu.vector_store_idx %arg7[%parallel_loop3A_98], %parallel_loop3A_80 masked %parallel_loop3A_83 : memref<1024xf32, #tpu.memory_space<vmem>>[vector<16xi32>], vector<16xf32>, vector<16xi1>
        %parallel_loop3A_99 = arith.constant 16 : i32
        %parallel_loop3A_100 = arith.muli %parallel_loop3A_75, %parallel_loop3A_99 : i32
        %parallel_loop3A_101 = vector.broadcast %parallel_loop3A_100 : i32 to vector<16xi32>
        %parallel_loop3A_102 = arith.addi %iota3A, %parallel_loop3A_101 : vector<16xi32>
        tpu.vector_store_idx %arg8[%parallel_loop3A_98], %parallel_loop3A_102 masked %parallel_loop3A_83 : memref<1024xi32, #tpu.memory_space<vmem>>[vector<16xi32>], vector<16xi32>, vector<16xi1>
        %parallel_loop3A_103 = tpu.all_reduce %parallel_loop3A_83 {dim = 0 : i64, kind = #tpu.reduction_kind<sum>} : vector<16xi1> -> vector<16xi32>
        %parallel_loop3A_104 = arith.addi %parallel_loop3A_76, %parallel_loop3A_103 : vector<16xi32>
        scf.yield %parallel_loop3A_104 : vector<16xi32>
      } {sc.loop_unroll_factor = 8 : i64, sc.parallel_access}
      "tpu.region"() ({
        %run_scoped3A = tpu.sem_alloc : memref<!tpu.dma_semaphore, #tpu.memory_space<semaphore_mem>>
        %dma_start3A_75 = arith.constant 0 : i32
        %dma_start3A_76 = tpu.memref_slice %arg3[%add3A_21, %dma_start3A_75] : memref<1024x1024xf32, #tpu.memory_space<hbm>> -> memref<1x1024xf32, #tpu.memory_space<hbm>>
        %dma_start3A_77 = tpu.memref_squeeze %dma_start3A_76 : memref<1x1024xf32, #tpu.memory_space<hbm>> -> memref<1024xf32, #tpu.memory_space<hbm>>
        %dma_start3A_78 = arith.constant 0 : i32
        %dma_start3A_79 = tpu.memref_slice %arg3[%add3A_21, %dma_start3A_78] : memref<1024x1024xf32, #tpu.memory_space<hbm>> -> memref<1x1024xf32, #tpu.memory_space<hbm>>
        %dma_start3A_80 = tpu.memref_squeeze %dma_start3A_79 : memref<1x1024xf32, #tpu.memory_space<hbm>> -> memref<1024xf32, #tpu.memory_space<hbm>>
        tpu.enqueue_dma source(%arg7 : memref<1024xf32, #tpu.memory_space<vmem>>) target(%dma_start3A_80 : memref<1024xf32, #tpu.memory_space<hbm>>) target_semaphore(%run_scoped3A : memref<!tpu.dma_semaphore, #tpu.memory_space<semaphore_mem>>)
        %dma_wait3A_81 = arith.constant 0 : i32
        %dma_wait3A_82 = tpu.memref_slice %arg3[%add3A_21, %dma_wait3A_81] : memref<1024x1024xf32, #tpu.memory_space<hbm>> -> memref<1x1024xf32, #tpu.memory_space<hbm>>
        %dma_wait3A_83 = tpu.memref_squeeze %dma_wait3A_82 : memref<1x1024xf32, #tpu.memory_space<hbm>> -> memref<1024xf32, #tpu.memory_space<hbm>>
        %dma_wait3A_84 = arith.constant 0 : i32
        %dma_wait3A_85 = tpu.memref_slice %arg3[%add3A_21, %dma_wait3A_84] : memref<1024x1024xf32, #tpu.memory_space<hbm>> -> memref<1x1024xf32, #tpu.memory_space<hbm>>
        %dma_wait3A_86 = tpu.memref_squeeze %dma_wait3A_85 : memref<1x1024xf32, #tpu.memory_space<hbm>> -> memref<1024xf32, #tpu.memory_space<hbm>>
        tpu.wait_dma2 semaphore(%run_scoped3A : memref<!tpu.dma_semaphore, #tpu.memory_space<semaphore_mem>>) src(%arg7 : memref<1024xf32, #tpu.memory_space<vmem>>) dst(%dma_wait3A_86 : memref<1024xf32, #tpu.memory_space<hbm>>)
        tpu.yield
      }) : () -> ()
      "tpu.region"() ({
        %run_scoped3A = tpu.sem_alloc : memref<!tpu.dma_semaphore, #tpu.memory_space<semaphore_mem>>
        %dma_start3A_75 = arith.constant 0 : i32
        %dma_start3A_76 = tpu.memref_slice %arg4[%add3A_21, %dma_start3A_75] : memref<1024x1024xi32, #tpu.memory_space<hbm>> -> memref<1x1024xi32, #tpu.memory_space<hbm>>
        %dma_start3A_77 = tpu.memref_squeeze %dma_start3A_76 : memref<1x1024xi32, #tpu.memory_space<hbm>> -> memref<1024xi32, #tpu.memory_space<hbm>>
        %dma_start3A_78 = arith.constant 0 : i32
        %dma_start3A_79 = tpu.memref_slice %arg4[%add3A_21, %dma_start3A_78] : memref<1024x1024xi32, #tpu.memory_space<hbm>> -> memref<1x1024xi32, #tpu.memory_space<hbm>>
        %dma_start3A_80 = tpu.memref_squeeze %dma_start3A_79 : memref<1x1024xi32, #tpu.memory_space<hbm>> -> memref<1024xi32, #tpu.memory_space<hbm>>
        tpu.enqueue_dma source(%arg8 : memref<1024xi32, #tpu.memory_space<vmem>>) target(%dma_start3A_80 : memref<1024xi32, #tpu.memory_space<hbm>>) target_semaphore(%run_scoped3A : memref<!tpu.dma_semaphore, #tpu.memory_space<semaphore_mem>>)
        %dma_wait3A_81 = arith.constant 0 : i32
        %dma_wait3A_82 = tpu.memref_slice %arg4[%add3A_21, %dma_wait3A_81] : memref<1024x1024xi32, #tpu.memory_space<hbm>> -> memref<1x1024xi32, #tpu.memory_space<hbm>>
        %dma_wait3A_83 = tpu.memref_squeeze %dma_wait3A_82 : memref<1x1024xi32, #tpu.memory_space<hbm>> -> memref<1024xi32, #tpu.memory_space<hbm>>
        %dma_wait3A_84 = arith.constant 0 : i32
        %dma_wait3A_85 = tpu.memref_slice %arg4[%add3A_21, %dma_wait3A_84] : memref<1024x1024xi32, #tpu.memory_space<hbm>> -> memref<1x1024xi32, #tpu.memory_space<hbm>>
        %dma_wait3A_86 = tpu.memref_squeeze %dma_wait3A_85 : memref<1x1024xi32, #tpu.memory_space<hbm>> -> memref<1024xi32, #tpu.memory_space<hbm>>
        tpu.wait_dma2 semaphore(%run_scoped3A : memref<!tpu.dma_semaphore, #tpu.memory_space<semaphore_mem>>) src(%arg8 : memref<1024xi32, #tpu.memory_space<vmem>>) dst(%dma_wait3A_86 : memref<1024xi32, #tpu.memory_space<hbm>>)
        tpu.yield
      }) : () -> ()
      %add3A_47 = arith.constant 1 : i32
      %add3A_48 = arith.addi %add3A_21, %add3A_47 : i32
      %dma_wait3A_49 = arith.constant 0 : i32
      %dma_wait3A_50 = tpu.memref_slice %arg2[%add3A_48, %dma_wait3A_49] : memref<1024x16384xf32, #tpu.memory_space<hbm>> -> memref<1x16384xf32, #tpu.memory_space<hbm>>
      %dma_wait3A_51 = tpu.memref_squeeze %dma_wait3A_50 : memref<1x16384xf32, #tpu.memory_space<hbm>> -> memref<16384xf32, #tpu.memory_space<hbm>>
      %dma_wait3A_52 = arith.constant 0 : i32
      %dma_wait3A_53 = tpu.memref_slice %arg2[%add3A_48, %dma_wait3A_52] : memref<1024x16384xf32, #tpu.memory_space<hbm>> -> memref<1x16384xf32, #tpu.memory_space<hbm>>
      %dma_wait3A_54 = tpu.memref_squeeze %dma_wait3A_53 : memref<1x16384xf32, #tpu.memory_space<hbm>> -> memref<16384xf32, #tpu.memory_space<hbm>>
      tpu.wait_dma2 semaphore(%arg9 : memref<!tpu.dma_semaphore, #tpu.memory_space<semaphore_mem>>) src(%dma_wait3A_54 : memref<16384xf32, #tpu.memory_space<hbm>>) dst(%arg6 : memref<16384xf32, #tpu.memory_space<vmem>>)
      %add3A_55 = arith.constant 1 : i32
      %add3A_56 = arith.addi %scan3A_17, %add3A_55 : i32
      %lt3A = arith.constant 16 : i32
      %lt3A_57 = arith.cmpi slt, %add3A_56, %lt3A : i32
      %convert_element_type3A = arith.extui %lt3A_57 : i1 to i32
      %cond3A = arith.constant 0 : i32
      %cond3A_58 = arith.cmpi ne, %convert_element_type3A, %cond3A : i32
      scf.if %cond3A_58 {
        %add3A_75 = arith.constant 2 : i32
        %add3A_76 = arith.addi %add3A_21, %add3A_75 : i32
        %dma_start3A_77 = arith.constant 0 : i32
        %dma_start3A_78 = tpu.memref_slice %arg2[%add3A_76, %dma_start3A_77] : memref<1024x16384xf32, #tpu.memory_space<hbm>> -> memref<1x16384xf32, #tpu.memory_space<hbm>>
        %dma_start3A_79 = tpu.memref_squeeze %dma_start3A_78 : memref<1x16384xf32, #tpu.memory_space<hbm>> -> memref<16384xf32, #tpu.memory_space<hbm>>
        %dma_start3A_80 = arith.constant 0 : i32
        %dma_start3A_81 = tpu.memref_slice %arg2[%add3A_76, %dma_start3A_80] : memref<1024x16384xf32, #tpu.memory_space<hbm>> -> memref<1x16384xf32, #tpu.memory_space<hbm>>
        %dma_start3A_82 = tpu.memref_squeeze %dma_start3A_81 : memref<1x16384xf32, #tpu.memory_space<hbm>> -> memref<16384xf32, #tpu.memory_space<hbm>>
        tpu.enqueue_dma source(%dma_start3A_82 : memref<16384xf32, #tpu.memory_space<hbm>>) target(%arg5 : memref<16384xf32, #tpu.memory_space<vmem>>) target_semaphore(%arg9 : memref<!tpu.dma_semaphore, #tpu.memory_space<semaphore_mem>>)
      } else {
      }
      %add3A_59 = arith.constant 1 : i32
      %add3A_60 = arith.addi %add3A_21, %add3A_59 : i32
      %scan3A_61 = arith.constant 0 : i32
      %scan3A_62 = arith.constant 0 : i32
      %scan3A_63 = arith.constant 64 : i32
      %scan3A_64 = arith.addi %scan3A_62, %scan3A_63 : i32
      %scan3A_65 = arith.constant 1 : i32
      %scan3A_66 = scf.for %scan3A_75 = %scan3A_62 to %scan3A_64 step %scan3A_65 iter_args(%scan3A_76 = %scan3A_61) -> (i32)  : i32 {
        %mul3A_77 = arith.constant 16 : i32
        %mul3A_78 = arith.muli %scan3A_75, %mul3A_77 : i32
        %swap3A = arith.index_cast %mul3A_78 : i32 to index
        %swap3A_79 = tpu.vector_load %arg7[%swap3A] {strides = array<i32>} : memref<1024xf32, #tpu.memory_space<vmem>>, vector<16xf32>,
        tpu.vector_store %arg7[%swap3A], %broadcast_in_dim3A_1 {strides = array<i32>} : memref<1024xf32, #tpu.memory_space<vmem>>, vector<16xf32>,
        %mul3A_80 = arith.constant 16 : i32
        %mul3A_81 = arith.muli %scan3A_75, %mul3A_80 : i32
        %swap3A_82 = arith.index_cast %mul3A_81 : i32 to index
        %swap3A_83 = tpu.vector_load %arg8[%swap3A_82] {strides = array<i32>} : memref<1024xi32, #tpu.memory_space<vmem>>, vector<16xi32>,
        tpu.vector_store %arg8[%swap3A_82], %broadcast_in_dim3A_3 {strides = array<i32>} : memref<1024xi32, #tpu.memory_space<vmem>>, vector<16xi32>,
        %scan3A_84 = arith.constant 0 : i32
        scf.yield %scan3A_84 : i32
      }
      %scan3A_67 = arith.constant 64 : i32
      %broadcast_in_dim3A_68 = arith.constant 0 : i32
      %broadcast_in_dim3A_69 = vector.broadcast %broadcast_in_dim3A_68 : i32 to vector<16xi32>
      %parallel_loop3A_70 = arith.constant 0 : i32
      %parallel_loop3A_71 = arith.constant 1024 : i32
      %parallel_loop3A_72 = arith.constant 1 : i32
      %parallel_loop3A_73 = scf.for %parallel_loop3A_75 = %parallel_loop3A_70 to %parallel_loop3A_71 step %parallel_loop3A_72 iter_args(%parallel_loop3A_76 = %broadcast_in_dim3A_69) -> (vector<16xi32>)  : i32 {
        %parallel_loop3A_77 = arith.constant 16 : i32
        %parallel_loop3A_78 = arith.muli %parallel_loop3A_75, %parallel_loop3A_77 : i32
        %parallel_loop3A_79 = arith.index_cast %parallel_loop3A_78 : i32 to index
        %parallel_loop3A_80 = tpu.vector_load %arg6[%parallel_loop3A_79] {strides = array<i32>} : memref<16384xf32, #tpu.memory_space<vmem>>, vector<16xf32>,
        %parallel_loop3A_81 = arith.constant 1.000000e+09 : f32
        %parallel_loop3A_82 = vector.broadcast %parallel_loop3A_81 : f32 to vector<16xf32>
        %parallel_loop3A_83 = arith.cmpf olt, %parallel_loop3A_80, %parallel_loop3A_82 : vector<16xf32>
        %parallel_loop3A_84 = arith.constant 1 : i32
        %parallel_loop3A_85 = arith.constant 0 : i32
        %parallel_loop3A_86 = vector.broadcast %parallel_loop3A_84 : i32 to vector<16xi32>
        %parallel_loop3A_87 = vector.broadcast %parallel_loop3A_85 : i32 to vector<16xi32>
        %parallel_loop3A_88 = arith.select %parallel_loop3A_83, %parallel_loop3A_86, %parallel_loop3A_87 : vector<16xi1>, vector<16xi32>
        %parallel_loop3A_89 = arith.constant true
        %parallel_loop3A_90 = vector.broadcast %parallel_loop3A_89 : i1 to vector<16xi1>
        %parallel_loop3A_91 = tpu.scan <sum>, %parallel_loop3A_88 masked %parallel_loop3A_90 : vector<16xi32>, vector<16xi1> -> vector<16xi32>
        %parallel_loop3A_92 = arith.addi %parallel_loop3A_76, %parallel_loop3A_91 : vector<16xi32>
        %parallel_loop3A_93 = arith.constant 1 : i32
        %parallel_loop3A_94 = vector.broadcast %parallel_loop3A_93 : i32 to vector<16xi32>
        %parallel_loop3A_95 = arith.subi %parallel_loop3A_92, %parallel_loop3A_94 : vector<16xi32>
        %parallel_loop3A_96 = arith.constant 1023 : i32
        %parallel_loop3A_97 = vector.broadcast %parallel_loop3A_96 : i32 to vector<16xi32>
        %parallel_loop3A_98 = arith.minsi %parallel_loop3A_95, %parallel_loop3A_97 : vector<16xi32>
        tpu.vector_store_idx %arg7[%parallel_loop3A_98], %parallel_loop3A_80 masked %parallel_loop3A_83 : memref<1024xf32, #tpu.memory_space<vmem>>[vector<16xi32>], vector<16xf32>, vector<16xi1>
        %parallel_loop3A_99 = arith.constant 16 : i32
        %parallel_loop3A_100 = arith.muli %parallel_loop3A_75, %parallel_loop3A_99 : i32
        %parallel_loop3A_101 = vector.broadcast %parallel_loop3A_100 : i32 to vector<16xi32>
        %parallel_loop3A_102 = arith.addi %iota3A, %parallel_loop3A_101 : vector<16xi32>
        tpu.vector_store_idx %arg8[%parallel_loop3A_98], %parallel_loop3A_102 masked %parallel_loop3A_83 : memref<1024xi32, #tpu.memory_space<vmem>>[vector<16xi32>], vector<16xi32>, vector<16xi1>
        %parallel_loop3A_103 = tpu.all_reduce %parallel_loop3A_83 {dim = 0 : i64, kind = #tpu.reduction_kind<sum>} : vector<16xi1> -> vector<16xi32>
        %parallel_loop3A_104 = arith.addi %parallel_loop3A_76, %parallel_loop3A_103 : vector<16xi32>
        scf.yield %parallel_loop3A_104 : vector<16xi32>
      } {sc.loop_unroll_factor = 8 : i64, sc.parallel_access}
      "tpu.region"() ({
        %run_scoped3A = tpu.sem_alloc : memref<!tpu.dma_semaphore, #tpu.memory_space<semaphore_mem>>
        %dma_start3A_75 = arith.constant 0 : i32
        %dma_start3A_76 = tpu.memref_slice %arg3[%add3A_60, %dma_start3A_75] : memref<1024x1024xf32, #tpu.memory_space<hbm>> -> memref<1x1024xf32, #tpu.memory_space<hbm>>
        %dma_start3A_77 = tpu.memref_squeeze %dma_start3A_76 : memref<1x1024xf32, #tpu.memory_space<hbm>> -> memref<1024xf32, #tpu.memory_space<hbm>>
        %dma_start3A_78 = arith.constant 0 : i32
        %dma_start3A_79 = tpu.memref_slice %arg3[%add3A_60, %dma_start3A_78] : memref<1024x1024xf32, #tpu.memory_space<hbm>> -> memref<1x1024xf32, #tpu.memory_space<hbm>>
        %dma_start3A_80 = tpu.memref_squeeze %dma_start3A_79 : memref<1x1024xf32, #tpu.memory_space<hbm>> -> memref<1024xf32, #tpu.memory_space<hbm>>
        tpu.enqueue_dma source(%arg7 : memref<1024xf32, #tpu.memory_space<vmem>>) target(%dma_start3A_80 : memref<1024xf32, #tpu.memory_space<hbm>>) target_semaphore(%run_scoped3A : memref<!tpu.dma_semaphore, #tpu.memory_space<semaphore_mem>>)
        %dma_wait3A_81 = arith.constant 0 : i32
        %dma_wait3A_82 = tpu.memref_slice %arg3[%add3A_60, %dma_wait3A_81] : memref<1024x1024xf32, #tpu.memory_space<hbm>> -> memref<1x1024xf32, #tpu.memory_space<hbm>>
        %dma_wait3A_83 = tpu.memref_squeeze %dma_wait3A_82 : memref<1x1024xf32, #tpu.memory_space<hbm>> -> memref<1024xf32, #tpu.memory_space<hbm>>
        %dma_wait3A_84 = arith.constant 0 : i32
        %dma_wait3A_85 = tpu.memref_slice %arg3[%add3A_60, %dma_wait3A_84] : memref<1024x1024xf32, #tpu.memory_space<hbm>> -> memref<1x1024xf32, #tpu.memory_space<hbm>>
        %dma_wait3A_86 = tpu.memref_squeeze %dma_wait3A_85 : memref<1x1024xf32, #tpu.memory_space<hbm>> -> memref<1024xf32, #tpu.memory_space<hbm>>
        tpu.wait_dma2 semaphore(%run_scoped3A : memref<!tpu.dma_semaphore, #tpu.memory_space<semaphore_mem>>) src(%arg7 : memref<1024xf32, #tpu.memory_space<vmem>>) dst(%dma_wait3A_86 : memref<1024xf32, #tpu.memory_space<hbm>>)
        tpu.yield
      }) : () -> ()
      "tpu.region"() ({
        %run_scoped3A = tpu.sem_alloc : memref<!tpu.dma_semaphore, #tpu.memory_space<semaphore_mem>>
        %dma_start3A_75 = arith.constant 0 : i32
        %dma_start3A_76 = tpu.memref_slice %arg4[%add3A_60, %dma_start3A_75] : memref<1024x1024xi32, #tpu.memory_space<hbm>> -> memref<1x1024xi32, #tpu.memory_space<hbm>>
        %dma_start3A_77 = tpu.memref_squeeze %dma_start3A_76 : memref<1x1024xi32, #tpu.memory_space<hbm>> -> memref<1024xi32, #tpu.memory_space<hbm>>
        %dma_start3A_78 = arith.constant 0 : i32
        %dma_start3A_79 = tpu.memref_slice %arg4[%add3A_60, %dma_start3A_78] : memref<1024x1024xi32, #tpu.memory_space<hbm>> -> memref<1x1024xi32, #tpu.memory_space<hbm>>
        %dma_start3A_80 = tpu.memref_squeeze %dma_start3A_79 : memref<1x1024xi32, #tpu.memory_space<hbm>> -> memref<1024xi32, #tpu.memory_space<hbm>>
        tpu.enqueue_dma source(%arg8 : memref<1024xi32, #tpu.memory_space<vmem>>) target(%dma_start3A_80 : memref<1024xi32, #tpu.memory_space<hbm>>) target_semaphore(%run_scoped3A : memref<!tpu.dma_semaphore, #tpu.memory_space<semaphore_mem>>)
        %dma_wait3A_81 = arith.constant 0 : i32
        %dma_wait3A_82 = tpu.memref_slice %arg4[%add3A_60, %dma_wait3A_81] : memref<1024x1024xi32, #tpu.memory_space<hbm>> -> memref<1x1024xi32, #tpu.memory_space<hbm>>
        %dma_wait3A_83 = tpu.memref_squeeze %dma_wait3A_82 : memref<1x1024xi32, #tpu.memory_space<hbm>> -> memref<1024xi32, #tpu.memory_space<hbm>>
        %dma_wait3A_84 = arith.constant 0 : i32
        %dma_wait3A_85 = tpu.memref_slice %arg4[%add3A_60, %dma_wait3A_84] : memref<1024x1024xi32, #tpu.memory_space<hbm>> -> memref<1x1024xi32, #tpu.memory_space<hbm>>
        %dma_wait3A_86 = tpu.memref_squeeze %dma_wait3A_85 : memref<1x1024xi32, #tpu.memory_space<hbm>> -> memref<1024xi32, #tpu.memory_space<hbm>>
        tpu.wait_dma2 semaphore(%run_scoped3A : memref<!tpu.dma_semaphore, #tpu.memory_space<semaphore_mem>>) src(%arg8 : memref<1024xi32, #tpu.memory_space<vmem>>) dst(%dma_wait3A_86 : memref<1024xi32, #tpu.memory_space<hbm>>)
        tpu.yield
      }) : () -> ()
      %scan3A_74 = arith.constant 0 : i32
      scf.yield %scan3A_74 : i32
    }
    %scan3A_16 = arith.constant 16 : i32
    return
  }
}

#map = affine_map<(d0, d1) -> (0, 0)>
#map1 = affine_map<(d0, d1) -> (0, 0, 0)>
module attributes {stable_mosaic.version = 14 : i64} {
  func.func @_gather_body(%arg0: i32, %arg1: i32, %arg2: memref<16384x128xf32, #tpu.memory_space<hbm>>, %arg3: memref<32x8x128xi32, #tpu.memory_space<hbm>>, %arg4: memref<32768x128xf32, #tpu.memory_space<hbm>>, %arg5: memref<8x128xi32, #tpu.memory_space<vmem>>, %arg6: memref<512x128xf32, #tpu.memory_space<vmem>>, %arg7: memref<!tpu.dma_semaphore, #tpu.memory_space<semaphore_mem>>) attributes {dimension_semantics = [#tpu.dimension_semantics<core_parallel>, #tpu.dimension_semantics<subcore_parallel>], iteration_bounds = array<i64: 2, 16>, scalar_prefetch = 0 : i64, scratch_operands = 3 : i64, tpu.core_type = #tpu.core_type<sc_vector_subcore>, window_params = [{transform_indices = #map}, {transform_indices = #map1}, {transform_indices = #map}]} {
    %mul3A = arith.constant 2 : i32
    %mul3A_0 = arith.muli %arg1, %mul3A : i32
    %add3A = arith.addi %mul3A_0, %arg0 : i32
    %mul3A_1 = arith.constant 1024 : i32
    %mul3A_2 = arith.muli %add3A, %mul3A_1 : i32
    "tpu.region"() ({
      %run_scoped3A = tpu.sem_alloc : memref<!tpu.dma_semaphore, #tpu.memory_space<semaphore_mem>>
      %dma_start3A_165 = arith.constant 0 : i32
      %dma_start3A_166 = arith.constant 0 : i32
      %dma_start3A_167 = tpu.memref_slice %arg3[%add3A, %dma_start3A_165, %dma_start3A_166] : memref<32x8x128xi32, #tpu.memory_space<hbm>> -> memref<1x8x128xi32, #tpu.memory_space<hbm>>
      %dma_start3A_168 = tpu.memref_squeeze %dma_start3A_167 : memref<1x8x128xi32, #tpu.memory_space<hbm>> -> memref<8x128xi32, #tpu.memory_space<hbm>>
      %dma_start3A_169 = arith.constant 0 : i32
      %dma_start3A_170 = arith.constant 0 : i32
      %dma_start3A_171 = tpu.memref_slice %arg3[%add3A, %dma_start3A_169, %dma_start3A_170] : memref<32x8x128xi32, #tpu.memory_space<hbm>> -> memref<1x8x128xi32, #tpu.memory_space<hbm>>
      %dma_start3A_172 = tpu.memref_squeeze %dma_start3A_171 : memref<1x8x128xi32, #tpu.memory_space<hbm>> -> memref<8x128xi32, #tpu.memory_space<hbm>>
      tpu.enqueue_dma source(%dma_start3A_172 : memref<8x128xi32, #tpu.memory_space<hbm>>) target(%arg5 : memref<8x128xi32, #tpu.memory_space<vmem>>) target_semaphore(%run_scoped3A : memref<!tpu.dma_semaphore, #tpu.memory_space<semaphore_mem>>)
      %dma_wait3A_173 = arith.constant 0 : i32
      %dma_wait3A_174 = arith.constant 0 : i32
      %dma_wait3A_175 = tpu.memref_slice %arg3[%add3A, %dma_wait3A_173, %dma_wait3A_174] : memref<32x8x128xi32, #tpu.memory_space<hbm>> -> memref<1x8x128xi32, #tpu.memory_space<hbm>>
      %dma_wait3A_176 = tpu.memref_squeeze %dma_wait3A_175 : memref<1x8x128xi32, #tpu.memory_space<hbm>> -> memref<8x128xi32, #tpu.memory_space<hbm>>
      %dma_wait3A_177 = arith.constant 0 : i32
      %dma_wait3A_178 = arith.constant 0 : i32
      %dma_wait3A_179 = tpu.memref_slice %arg3[%add3A, %dma_wait3A_177, %dma_wait3A_178] : memref<32x8x128xi32, #tpu.memory_space<hbm>> -> memref<1x8x128xi32, #tpu.memory_space<hbm>>
      %dma_wait3A_180 = tpu.memref_squeeze %dma_wait3A_179 : memref<1x8x128xi32, #tpu.memory_space<hbm>> -> memref<8x128xi32, #tpu.memory_space<hbm>>
      tpu.wait_dma2 semaphore(%run_scoped3A : memref<!tpu.dma_semaphore, #tpu.memory_space<semaphore_mem>>) src(%dma_wait3A_180 : memref<8x128xi32, #tpu.memory_space<hbm>>) dst(%arg5 : memref<8x128xi32, #tpu.memory_space<vmem>>)
      tpu.yield
    }) : () -> ()
    %dma_start3A = arith.constant 0 : i32
    %dma_start3A_3 = arith.constant 0 : i32
    %dma_start3A_4 = arith.constant 0 : i32
    %dma_start3A_5 = tpu.memref_slice %arg6[%dma_start3A_3, %dma_start3A_4] : memref<512x128xf32, #tpu.memory_space<vmem>> -> memref<128x128xf32, #tpu.memory_space<vmem>>
    %dma_start3A_6 = arith.constant 0 : i32
    %dma_start3A_7 = tpu.memref_slice %arg5[%dma_start3A, %dma_start3A_6] : memref<8x128xi32, #tpu.memory_space<vmem>> -> memref<1x128xi32, #tpu.memory_space<vmem>>
    %dma_start3A_8 = tpu.memref_squeeze %dma_start3A_7 : memref<1x128xi32, #tpu.memory_space<vmem>> -> memref<128xi32, #tpu.memory_space<vmem>>
    %dma_start3A_9 = arith.constant 0 : i32
    %dma_start3A_10 = arith.constant 0 : i32
    %dma_start3A_11 = tpu.memref_slice %arg2[%dma_start3A_9, %dma_start3A_10] : memref<16384x128xf32, #tpu.memory_space<hbm>> -> memref<16384x128xf32, #tpu.memory_space<hbm>>
    tpu.enqueue_indirect_dma source(%dma_start3A_11 : memref<16384x128xf32, #tpu.memory_space<hbm>>) target(%dma_start3A_5 : memref<128x128xf32, #tpu.memory_space<vmem>>) offsets(%dma_start3A_8 : memref<128xi32, #tpu.memory_space<vmem>>) semaphore(%arg7 : memref<!tpu.dma_semaphore, #tpu.memory_space<semaphore_mem>>)
    %dma_start3A_12 = arith.constant 1 : i32
    %dma_start3A_13 = arith.constant 128 : i32
    %dma_start3A_14 = arith.constant 0 : i32
    %dma_start3A_15 = tpu.memref_slice %arg6[%dma_start3A_13, %dma_start3A_14] : memref<512x128xf32, #tpu.memory_space<vmem>> -> memref<128x128xf32, #tpu.memory_space<vmem>>
    %dma_start3A_16 = arith.constant 0 : i32
    %dma_start3A_17 = tpu.memref_slice %arg5[%dma_start3A_12, %dma_start3A_16] : memref<8x128xi32, #tpu.memory_space<vmem>> -> memref<1x128xi32, #tpu.memory_space<vmem>>
    %dma_start3A_18 = tpu.memref_squeeze %dma_start3A_17 : memref<1x128xi32, #tpu.memory_space<vmem>> -> memref<128xi32, #tpu.memory_space<vmem>>
    %dma_start3A_19 = arith.constant 0 : i32
    %dma_start3A_20 = arith.constant 0 : i32
    %dma_start3A_21 = tpu.memref_slice %arg2[%dma_start3A_19, %dma_start3A_20] : memref<16384x128xf32, #tpu.memory_space<hbm>> -> memref<16384x128xf32, #tpu.memory_space<hbm>>
    tpu.enqueue_indirect_dma source(%dma_start3A_21 : memref<16384x128xf32, #tpu.memory_space<hbm>>) target(%dma_start3A_15 : memref<128x128xf32, #tpu.memory_space<vmem>>) offsets(%dma_start3A_18 : memref<128xi32, #tpu.memory_space<vmem>>) semaphore(%arg7 : memref<!tpu.dma_semaphore, #tpu.memory_space<semaphore_mem>>)
    %dma_start3A_22 = arith.constant 2 : i32
    %dma_start3A_23 = arith.constant 256 : i32
    %dma_start3A_24 = arith.constant 0 : i32
    %dma_start3A_25 = tpu.memref_slice %arg6[%dma_start3A_23, %dma_start3A_24] : memref<512x128xf32, #tpu.memory_space<vmem>> -> memref<128x128xf32, #tpu.memory_space<vmem>>
    %dma_start3A_26 = arith.constant 0 : i32
    %dma_start3A_27 = tpu.memref_slice %arg5[%dma_start3A_22, %dma_start3A_26] : memref<8x128xi32, #tpu.memory_space<vmem>> -> memref<1x128xi32, #tpu.memory_space<vmem>>
    %dma_start3A_28 = tpu.memref_squeeze %dma_start3A_27 : memref<1x128xi32, #tpu.memory_space<vmem>> -> memref<128xi32, #tpu.memory_space<vmem>>
    %dma_start3A_29 = arith.constant 0 : i32
    %dma_start3A_30 = arith.constant 0 : i32
    %dma_start3A_31 = tpu.memref_slice %arg2[%dma_start3A_29, %dma_start3A_30] : memref<16384x128xf32, #tpu.memory_space<hbm>> -> memref<16384x128xf32, #tpu.memory_space<hbm>>
    tpu.enqueue_indirect_dma source(%dma_start3A_31 : memref<16384x128xf32, #tpu.memory_space<hbm>>) target(%dma_start3A_25 : memref<128x128xf32, #tpu.memory_space<vmem>>) offsets(%dma_start3A_28 : memref<128xi32, #tpu.memory_space<vmem>>) semaphore(%arg7 : memref<!tpu.dma_semaphore, #tpu.memory_space<semaphore_mem>>)
    %dma_start3A_32 = arith.constant 3 : i32
    %dma_start3A_33 = arith.constant 384 : i32
    %dma_start3A_34 = arith.constant 0 : i32
    %dma_start3A_35 = tpu.memref_slice %arg6[%dma_start3A_33, %dma_start3A_34] : memref<512x128xf32, #tpu.memory_space<vmem>> -> memref<128x128xf32, #tpu.memory_space<vmem>>
    %dma_start3A_36 = arith.constant 0 : i32
    %dma_start3A_37 = tpu.memref_slice %arg5[%dma_start3A_32, %dma_start3A_36] : memref<8x128xi32, #tpu.memory_space<vmem>> -> memref<1x128xi32, #tpu.memory_space<vmem>>
    %dma_start3A_38 = tpu.memref_squeeze %dma_start3A_37 : memref<1x128xi32, #tpu.memory_space<vmem>> -> memref<128xi32, #tpu.memory_space<vmem>>
    %dma_start3A_39 = arith.constant 0 : i32
    %dma_start3A_40 = arith.constant 0 : i32
    %dma_start3A_41 = tpu.memref_slice %arg2[%dma_start3A_39, %dma_start3A_40] : memref<16384x128xf32, #tpu.memory_space<hbm>> -> memref<16384x128xf32, #tpu.memory_space<hbm>>
    tpu.enqueue_indirect_dma source(%dma_start3A_41 : memref<16384x128xf32, #tpu.memory_space<hbm>>) target(%dma_start3A_35 : memref<128x128xf32, #tpu.memory_space<vmem>>) offsets(%dma_start3A_38 : memref<128xi32, #tpu.memory_space<vmem>>) semaphore(%arg7 : memref<!tpu.dma_semaphore, #tpu.memory_space<semaphore_mem>>)
    %dma_wait3A = arith.constant 0 : i32
    %dma_wait3A_42 = arith.constant 0 : i32
    %dma_wait3A_43 = arith.constant 0 : i32
    %dma_wait3A_44 = tpu.memref_slice %arg6[%dma_wait3A_42, %dma_wait3A_43] : memref<512x128xf32, #tpu.memory_space<vmem>> -> memref<128x128xf32, #tpu.memory_space<vmem>>
    %dma_wait3A_45 = arith.constant 0 : i32
    %dma_wait3A_46 = tpu.memref_slice %arg5[%dma_wait3A, %dma_wait3A_45] : memref<8x128xi32, #tpu.memory_space<vmem>> -> memref<1x128xi32, #tpu.memory_space<vmem>>
    %dma_wait3A_47 = tpu.memref_squeeze %dma_wait3A_46 : memref<1x128xi32, #tpu.memory_space<vmem>> -> memref<128xi32, #tpu.memory_space<vmem>>
    %dma_wait3A_48 = arith.constant 0 : i32
    %dma_wait3A_49 = arith.constant 0 : i32
    %dma_wait3A_50 = tpu.memref_slice %arg2[%dma_wait3A_48, %dma_wait3A_49] : memref<16384x128xf32, #tpu.memory_space<hbm>> -> memref<16384x128xf32, #tpu.memory_space<hbm>>
    tpu.wait_indirect_dma semaphore(%arg7 : memref<!tpu.dma_semaphore, #tpu.memory_space<semaphore_mem>>) src(%dma_wait3A_50 : memref<16384x128xf32, #tpu.memory_space<hbm>>) dst(%dma_wait3A_44 : memref<128x128xf32, #tpu.memory_space<vmem>>)
    %dma_wait3A_51 = arith.constant 1 : i32
    %dma_wait3A_52 = arith.constant 128 : i32
    %dma_wait3A_53 = arith.constant 0 : i32
    %dma_wait3A_54 = tpu.memref_slice %arg6[%dma_wait3A_52, %dma_wait3A_53] : memref<512x128xf32, #tpu.memory_space<vmem>> -> memref<128x128xf32, #tpu.memory_space<vmem>>
    %dma_wait3A_55 = arith.constant 0 : i32
    %dma_wait3A_56 = tpu.memref_slice %arg5[%dma_wait3A_51, %dma_wait3A_55] : memref<8x128xi32, #tpu.memory_space<vmem>> -> memref<1x128xi32, #tpu.memory_space<vmem>>
    %dma_wait3A_57 = tpu.memref_squeeze %dma_wait3A_56 : memref<1x128xi32, #tpu.memory_space<vmem>> -> memref<128xi32, #tpu.memory_space<vmem>>
    %dma_wait3A_58 = arith.constant 0 : i32
    %dma_wait3A_59 = arith.constant 0 : i32
    %dma_wait3A_60 = tpu.memref_slice %arg2[%dma_wait3A_58, %dma_wait3A_59] : memref<16384x128xf32, #tpu.memory_space<hbm>> -> memref<16384x128xf32, #tpu.memory_space<hbm>>
    tpu.wait_indirect_dma semaphore(%arg7 : memref<!tpu.dma_semaphore, #tpu.memory_space<semaphore_mem>>) src(%dma_wait3A_60 : memref<16384x128xf32, #tpu.memory_space<hbm>>) dst(%dma_wait3A_54 : memref<128x128xf32, #tpu.memory_space<vmem>>)
    %dma_wait3A_61 = arith.constant 2 : i32
    %dma_wait3A_62 = arith.constant 256 : i32
    %dma_wait3A_63 = arith.constant 0 : i32
    %dma_wait3A_64 = tpu.memref_slice %arg6[%dma_wait3A_62, %dma_wait3A_63] : memref<512x128xf32, #tpu.memory_space<vmem>> -> memref<128x128xf32, #tpu.memory_space<vmem>>
    %dma_wait3A_65 = arith.constant 0 : i32
    %dma_wait3A_66 = tpu.memref_slice %arg5[%dma_wait3A_61, %dma_wait3A_65] : memref<8x128xi32, #tpu.memory_space<vmem>> -> memref<1x128xi32, #tpu.memory_space<vmem>>
    %dma_wait3A_67 = tpu.memref_squeeze %dma_wait3A_66 : memref<1x128xi32, #tpu.memory_space<vmem>> -> memref<128xi32, #tpu.memory_space<vmem>>
    %dma_wait3A_68 = arith.constant 0 : i32
    %dma_wait3A_69 = arith.constant 0 : i32
    %dma_wait3A_70 = tpu.memref_slice %arg2[%dma_wait3A_68, %dma_wait3A_69] : memref<16384x128xf32, #tpu.memory_space<hbm>> -> memref<16384x128xf32, #tpu.memory_space<hbm>>
    tpu.wait_indirect_dma semaphore(%arg7 : memref<!tpu.dma_semaphore, #tpu.memory_space<semaphore_mem>>) src(%dma_wait3A_70 : memref<16384x128xf32, #tpu.memory_space<hbm>>) dst(%dma_wait3A_64 : memref<128x128xf32, #tpu.memory_space<vmem>>)
    %dma_wait3A_71 = arith.constant 3 : i32
    %dma_wait3A_72 = arith.constant 384 : i32
    %dma_wait3A_73 = arith.constant 0 : i32
    %dma_wait3A_74 = tpu.memref_slice %arg6[%dma_wait3A_72, %dma_wait3A_73] : memref<512x128xf32, #tpu.memory_space<vmem>> -> memref<128x128xf32, #tpu.memory_space<vmem>>
    %dma_wait3A_75 = arith.constant 0 : i32
    %dma_wait3A_76 = tpu.memref_slice %arg5[%dma_wait3A_71, %dma_wait3A_75] : memref<8x128xi32, #tpu.memory_space<vmem>> -> memref<1x128xi32, #tpu.memory_space<vmem>>
    %dma_wait3A_77 = tpu.memref_squeeze %dma_wait3A_76 : memref<1x128xi32, #tpu.memory_space<vmem>> -> memref<128xi32, #tpu.memory_space<vmem>>
    %dma_wait3A_78 = arith.constant 0 : i32
    %dma_wait3A_79 = arith.constant 0 : i32
    %dma_wait3A_80 = tpu.memref_slice %arg2[%dma_wait3A_78, %dma_wait3A_79] : memref<16384x128xf32, #tpu.memory_space<hbm>> -> memref<16384x128xf32, #tpu.memory_space<hbm>>
    tpu.wait_indirect_dma semaphore(%arg7 : memref<!tpu.dma_semaphore, #tpu.memory_space<semaphore_mem>>) src(%dma_wait3A_80 : memref<16384x128xf32, #tpu.memory_space<hbm>>) dst(%dma_wait3A_74 : memref<128x128xf32, #tpu.memory_space<vmem>>)
    %add3A_81 = arith.constant 0 : i32
    %add3A_82 = arith.addi %mul3A_2, %add3A_81 : i32
    "tpu.region"() ({
      %run_scoped3A = tpu.sem_alloc : memref<!tpu.dma_semaphore, #tpu.memory_space<semaphore_mem>>
      %dma_start3A_165 = arith.constant 0 : i32
      %dma_start3A_166 = tpu.memref_slice %arg4[%add3A_82, %dma_start3A_165] : memref<32768x128xf32, #tpu.memory_space<hbm>> -> memref<512x128xf32, #tpu.memory_space<hbm>>
      %dma_start3A_167 = arith.constant 0 : i32
      %dma_start3A_168 = tpu.memref_slice %arg4[%add3A_82, %dma_start3A_167] : memref<32768x128xf32, #tpu.memory_space<hbm>> -> memref<512x128xf32, #tpu.memory_space<hbm>>
      tpu.enqueue_dma source(%arg6 : memref<512x128xf32, #tpu.memory_space<vmem>>) target(%dma_start3A_168 : memref<512x128xf32, #tpu.memory_space<hbm>>) target_semaphore(%run_scoped3A : memref<!tpu.dma_semaphore, #tpu.memory_space<semaphore_mem>>)
      %dma_wait3A_169 = arith.constant 0 : i32
      %dma_wait3A_170 = tpu.memref_slice %arg4[%add3A_82, %dma_wait3A_169] : memref<32768x128xf32, #tpu.memory_space<hbm>> -> memref<512x128xf32, #tpu.memory_space<hbm>>
      %dma_wait3A_171 = arith.constant 0 : i32
      %dma_wait3A_172 = tpu.memref_slice %arg4[%add3A_82, %dma_wait3A_171] : memref<32768x128xf32, #tpu.memory_space<hbm>> -> memref<512x128xf32, #tpu.memory_space<hbm>>
      tpu.wait_dma2 semaphore(%run_scoped3A : memref<!tpu.dma_semaphore, #tpu.memory_space<semaphore_mem>>) src(%arg6 : memref<512x128xf32, #tpu.memory_space<vmem>>) dst(%dma_wait3A_172 : memref<512x128xf32, #tpu.memory_space<hbm>>)
      tpu.yield
    }) : () -> ()
    %dma_start3A_83 = arith.constant 4 : i32
    %dma_start3A_84 = arith.constant 0 : i32
    %dma_start3A_85 = arith.constant 0 : i32
    %dma_start3A_86 = tpu.memref_slice %arg6[%dma_start3A_84, %dma_start3A_85] : memref<512x128xf32, #tpu.memory_space<vmem>> -> memref<128x128xf32, #tpu.memory_space<vmem>>
    %dma_start3A_87 = arith.constant 0 : i32
    %dma_start3A_88 = tpu.memref_slice %arg5[%dma_start3A_83, %dma_start3A_87] : memref<8x128xi32, #tpu.memory_space<vmem>> -> memref<1x128xi32, #tpu.memory_space<vmem>>
    %dma_start3A_89 = tpu.memref_squeeze %dma_start3A_88 : memref<1x128xi32, #tpu.memory_space<vmem>> -> memref<128xi32, #tpu.memory_space<vmem>>
    %dma_start3A_90 = arith.constant 0 : i32
    %dma_start3A_91 = arith.constant 0 : i32
    %dma_start3A_92 = tpu.memref_slice %arg2[%dma_start3A_90, %dma_start3A_91] : memref<16384x128xf32, #tpu.memory_space<hbm>> -> memref<16384x128xf32, #tpu.memory_space<hbm>>
    tpu.enqueue_indirect_dma source(%dma_start3A_92 : memref<16384x128xf32, #tpu.memory_space<hbm>>) target(%dma_start3A_86 : memref<128x128xf32, #tpu.memory_space<vmem>>) offsets(%dma_start3A_89 : memref<128xi32, #tpu.memory_space<vmem>>) semaphore(%arg7 : memref<!tpu.dma_semaphore, #tpu.memory_space<semaphore_mem>>)
    %dma_start3A_93 = arith.constant 5 : i32
    %dma_start3A_94 = arith.constant 128 : i32
    %dma_start3A_95 = arith.constant 0 : i32
    %dma_start3A_96 = tpu.memref_slice %arg6[%dma_start3A_94, %dma_start3A_95] : memref<512x128xf32, #tpu.memory_space<vmem>> -> memref<128x128xf32, #tpu.memory_space<vmem>>
    %dma_start3A_97 = arith.constant 0 : i32
    %dma_start3A_98 = tpu.memref_slice %arg5[%dma_start3A_93, %dma_start3A_97] : memref<8x128xi32, #tpu.memory_space<vmem>> -> memref<1x128xi32, #tpu.memory_space<vmem>>
    %dma_start3A_99 = tpu.memref_squeeze %dma_start3A_98 : memref<1x128xi32, #tpu.memory_space<vmem>> -> memref<128xi32, #tpu.memory_space<vmem>>
    %dma_start3A_100 = arith.constant 0 : i32
    %dma_start3A_101 = arith.constant 0 : i32
    %dma_start3A_102 = tpu.memref_slice %arg2[%dma_start3A_100, %dma_start3A_101] : memref<16384x128xf32, #tpu.memory_space<hbm>> -> memref<16384x128xf32, #tpu.memory_space<hbm>>
    tpu.enqueue_indirect_dma source(%dma_start3A_102 : memref<16384x128xf32, #tpu.memory_space<hbm>>) target(%dma_start3A_96 : memref<128x128xf32, #tpu.memory_space<vmem>>) offsets(%dma_start3A_99 : memref<128xi32, #tpu.memory_space<vmem>>) semaphore(%arg7 : memref<!tpu.dma_semaphore, #tpu.memory_space<semaphore_mem>>)
    %dma_start3A_103 = arith.constant 6 : i32
    %dma_start3A_104 = arith.constant 256 : i32
    %dma_start3A_105 = arith.constant 0 : i32
    %dma_start3A_106 = tpu.memref_slice %arg6[%dma_start3A_104, %dma_start3A_105] : memref<512x128xf32, #tpu.memory_space<vmem>> -> memref<128x128xf32, #tpu.memory_space<vmem>>
    %dma_start3A_107 = arith.constant 0 : i32
    %dma_start3A_108 = tpu.memref_slice %arg5[%dma_start3A_103, %dma_start3A_107] : memref<8x128xi32, #tpu.memory_space<vmem>> -> memref<1x128xi32, #tpu.memory_space<vmem>>
    %dma_start3A_109 = tpu.memref_squeeze %dma_start3A_108 : memref<1x128xi32, #tpu.memory_space<vmem>> -> memref<128xi32, #tpu.memory_space<vmem>>
    %dma_start3A_110 = arith.constant 0 : i32
    %dma_start3A_111 = arith.constant 0 : i32
    %dma_start3A_112 = tpu.memref_slice %arg2[%dma_start3A_110, %dma_start3A_111] : memref<16384x128xf32, #tpu.memory_space<hbm>> -> memref<16384x128xf32, #tpu.memory_space<hbm>>
    tpu.enqueue_indirect_dma source(%dma_start3A_112 : memref<16384x128xf32, #tpu.memory_space<hbm>>) target(%dma_start3A_106 : memref<128x128xf32, #tpu.memory_space<vmem>>) offsets(%dma_start3A_109 : memref<128xi32, #tpu.memory_space<vmem>>) semaphore(%arg7 : memref<!tpu.dma_semaphore, #tpu.memory_space<semaphore_mem>>)
    %dma_start3A_113 = arith.constant 7 : i32
    %dma_start3A_114 = arith.constant 384 : i32
    %dma_start3A_115 = arith.constant 0 : i32
    %dma_start3A_116 = tpu.memref_slice %arg6[%dma_start3A_114, %dma_start3A_115] : memref<512x128xf32, #tpu.memory_space<vmem>> -> memref<128x128xf32, #tpu.memory_space<vmem>>
    %dma_start3A_117 = arith.constant 0 : i32
    %dma_start3A_118 = tpu.memref_slice %arg5[%dma_start3A_113, %dma_start3A_117] : memref<8x128xi32, #tpu.memory_space<vmem>> -> memref<1x128xi32, #tpu.memory_space<vmem>>
    %dma_start3A_119 = tpu.memref_squeeze %dma_start3A_118 : memref<1x128xi32, #tpu.memory_space<vmem>> -> memref<128xi32, #tpu.memory_space<vmem>>
    %dma_start3A_120 = arith.constant 0 : i32
    %dma_start3A_121 = arith.constant 0 : i32
    %dma_start3A_122 = tpu.memref_slice %arg2[%dma_start3A_120, %dma_start3A_121] : memref<16384x128xf32, #tpu.memory_space<hbm>> -> memref<16384x128xf32, #tpu.memory_space<hbm>>
    tpu.enqueue_indirect_dma source(%dma_start3A_122 : memref<16384x128xf32, #tpu.memory_space<hbm>>) target(%dma_start3A_116 : memref<128x128xf32, #tpu.memory_space<vmem>>) offsets(%dma_start3A_119 : memref<128xi32, #tpu.memory_space<vmem>>) semaphore(%arg7 : memref<!tpu.dma_semaphore, #tpu.memory_space<semaphore_mem>>)
    %dma_wait3A_123 = arith.constant 4 : i32
    %dma_wait3A_124 = arith.constant 0 : i32
    %dma_wait3A_125 = arith.constant 0 : i32
    %dma_wait3A_126 = tpu.memref_slice %arg6[%dma_wait3A_124, %dma_wait3A_125] : memref<512x128xf32, #tpu.memory_space<vmem>> -> memref<128x128xf32, #tpu.memory_space<vmem>>
    %dma_wait3A_127 = arith.constant 0 : i32
    %dma_wait3A_128 = tpu.memref_slice %arg5[%dma_wait3A_123, %dma_wait3A_127] : memref<8x128xi32, #tpu.memory_space<vmem>> -> memref<1x128xi32, #tpu.memory_space<vmem>>
    %dma_wait3A_129 = tpu.memref_squeeze %dma_wait3A_128 : memref<1x128xi32, #tpu.memory_space<vmem>> -> memref<128xi32, #tpu.memory_space<vmem>>
    %dma_wait3A_130 = arith.constant 0 : i32
    %dma_wait3A_131 = arith.constant 0 : i32
    %dma_wait3A_132 = tpu.memref_slice %arg2[%dma_wait3A_130, %dma_wait3A_131] : memref<16384x128xf32, #tpu.memory_space<hbm>> -> memref<16384x128xf32, #tpu.memory_space<hbm>>
    tpu.wait_indirect_dma semaphore(%arg7 : memref<!tpu.dma_semaphore, #tpu.memory_space<semaphore_mem>>) src(%dma_wait3A_132 : memref<16384x128xf32, #tpu.memory_space<hbm>>) dst(%dma_wait3A_126 : memref<128x128xf32, #tpu.memory_space<vmem>>)
    %dma_wait3A_133 = arith.constant 5 : i32
    %dma_wait3A_134 = arith.constant 128 : i32
    %dma_wait3A_135 = arith.constant 0 : i32
    %dma_wait3A_136 = tpu.memref_slice %arg6[%dma_wait3A_134, %dma_wait3A_135] : memref<512x128xf32, #tpu.memory_space<vmem>> -> memref<128x128xf32, #tpu.memory_space<vmem>>
    %dma_wait3A_137 = arith.constant 0 : i32
    %dma_wait3A_138 = tpu.memref_slice %arg5[%dma_wait3A_133, %dma_wait3A_137] : memref<8x128xi32, #tpu.memory_space<vmem>> -> memref<1x128xi32, #tpu.memory_space<vmem>>
    %dma_wait3A_139 = tpu.memref_squeeze %dma_wait3A_138 : memref<1x128xi32, #tpu.memory_space<vmem>> -> memref<128xi32, #tpu.memory_space<vmem>>
    %dma_wait3A_140 = arith.constant 0 : i32
    %dma_wait3A_141 = arith.constant 0 : i32
    %dma_wait3A_142 = tpu.memref_slice %arg2[%dma_wait3A_140, %dma_wait3A_141] : memref<16384x128xf32, #tpu.memory_space<hbm>> -> memref<16384x128xf32, #tpu.memory_space<hbm>>
    tpu.wait_indirect_dma semaphore(%arg7 : memref<!tpu.dma_semaphore, #tpu.memory_space<semaphore_mem>>) src(%dma_wait3A_142 : memref<16384x128xf32, #tpu.memory_space<hbm>>) dst(%dma_wait3A_136 : memref<128x128xf32, #tpu.memory_space<vmem>>)
    %dma_wait3A_143 = arith.constant 6 : i32
    %dma_wait3A_144 = arith.constant 256 : i32
    %dma_wait3A_145 = arith.constant 0 : i32
    %dma_wait3A_146 = tpu.memref_slice %arg6[%dma_wait3A_144, %dma_wait3A_145] : memref<512x128xf32, #tpu.memory_space<vmem>> -> memref<128x128xf32, #tpu.memory_space<vmem>>
    %dma_wait3A_147 = arith.constant 0 : i32
    %dma_wait3A_148 = tpu.memref_slice %arg5[%dma_wait3A_143, %dma_wait3A_147] : memref<8x128xi32, #tpu.memory_space<vmem>> -> memref<1x128xi32, #tpu.memory_space<vmem>>
    %dma_wait3A_149 = tpu.memref_squeeze %dma_wait3A_148 : memref<1x128xi32, #tpu.memory_space<vmem>> -> memref<128xi32, #tpu.memory_space<vmem>>
    %dma_wait3A_150 = arith.constant 0 : i32
    %dma_wait3A_151 = arith.constant 0 : i32
    %dma_wait3A_152 = tpu.memref_slice %arg2[%dma_wait3A_150, %dma_wait3A_151] : memref<16384x128xf32, #tpu.memory_space<hbm>> -> memref<16384x128xf32, #tpu.memory_space<hbm>>
    tpu.wait_indirect_dma semaphore(%arg7 : memref<!tpu.dma_semaphore, #tpu.memory_space<semaphore_mem>>) src(%dma_wait3A_152 : memref<16384x128xf32, #tpu.memory_space<hbm>>) dst(%dma_wait3A_146 : memref<128x128xf32, #tpu.memory_space<vmem>>)
    %dma_wait3A_153 = arith.constant 7 : i32
    %dma_wait3A_154 = arith.constant 384 : i32
    %dma_wait3A_155 = arith.constant 0 : i32
    %dma_wait3A_156 = tpu.memref_slice %arg6[%dma_wait3A_154, %dma_wait3A_155] : memref<512x128xf32, #tpu.memory_space<vmem>> -> memref<128x128xf32, #tpu.memory_space<vmem>>
    %dma_wait3A_157 = arith.constant 0 : i32
    %dma_wait3A_158 = tpu.memref_slice %arg5[%dma_wait3A_153, %dma_wait3A_157] : memref<8x128xi32, #tpu.memory_space<vmem>> -> memref<1x128xi32, #tpu.memory_space<vmem>>
    %dma_wait3A_159 = tpu.memref_squeeze %dma_wait3A_158 : memref<1x128xi32, #tpu.memory_space<vmem>> -> memref<128xi32, #tpu.memory_space<vmem>>
    %dma_wait3A_160 = arith.constant 0 : i32
    %dma_wait3A_161 = arith.constant 0 : i32
    %dma_wait3A_162 = tpu.memref_slice %arg2[%dma_wait3A_160, %dma_wait3A_161] : memref<16384x128xf32, #tpu.memory_space<hbm>> -> memref<16384x128xf32, #tpu.memory_space<hbm>>
    tpu.wait_indirect_dma semaphore(%arg7 : memref<!tpu.dma_semaphore, #tpu.memory_space<semaphore_mem>>) src(%dma_wait3A_162 : memref<16384x128xf32, #tpu.memory_space<hbm>>) dst(%dma_wait3A_156 : memref<128x128xf32, #tpu.memory_space<vmem>>)
    %add3A_163 = arith.constant 512 : i32
    %add3A_164 = arith.addi %mul3A_2, %add3A_163 : i32
    "tpu.region"() ({
      %run_scoped3A = tpu.sem_alloc : memref<!tpu.dma_semaphore, #tpu.memory_space<semaphore_mem>>
      %dma_start3A_165 = arith.constant 0 : i32
      %dma_start3A_166 = tpu.memref_slice %arg4[%add3A_164, %dma_start3A_165] : memref<32768x128xf32, #tpu.memory_space<hbm>> -> memref<512x128xf32, #tpu.memory_space<hbm>>
      %dma_start3A_167 = arith.constant 0 : i32
      %dma_start3A_168 = tpu.memref_slice %arg4[%add3A_164, %dma_start3A_167] : memref<32768x128xf32, #tpu.memory_space<hbm>> -> memref<512x128xf32, #tpu.memory_space<hbm>>
      tpu.enqueue_dma source(%arg6 : memref<512x128xf32, #tpu.memory_space<vmem>>) target(%dma_start3A_168 : memref<512x128xf32, #tpu.memory_space<hbm>>) target_semaphore(%run_scoped3A : memref<!tpu.dma_semaphore, #tpu.memory_space<semaphore_mem>>)
      %dma_wait3A_169 = arith.constant 0 : i32
      %dma_wait3A_170 = tpu.memref_slice %arg4[%add3A_164, %dma_wait3A_169] : memref<32768x128xf32, #tpu.memory_space<hbm>> -> memref<512x128xf32, #tpu.memory_space<hbm>>
      %dma_wait3A_171 = arith.constant 0 : i32
      %dma_wait3A_172 = tpu.memref_slice %arg4[%add3A_164, %dma_wait3A_171] : memref<32768x128xf32, #tpu.memory_space<hbm>> -> memref<512x128xf32, #tpu.memory_space<hbm>>
      tpu.wait_dma2 semaphore(%run_scoped3A : memref<!tpu.dma_semaphore, #tpu.memory_space<semaphore_mem>>) src(%arg6 : memref<512x128xf32, #tpu.memory_space<vmem>>) dst(%dma_wait3A_172 : memref<512x128xf32, #tpu.memory_space<hbm>>)
      tpu.yield
    }) : () -> ()
    return
  }
}

module attributes {stable_mosaic.version = 14 : i64} {
  func.func @_dist_body(%arg0: i32, %arg1: i32, %arg2: memref<8x1x2048xf32, #tpu.memory_space<vmem>>, %arg3: memref<8x1x2048xf32, #tpu.memory_space<vmem>>, %arg4: memref<8x1x2048xf32, #tpu.memory_space<vmem>>, %arg5: memref<128x1xf32, #tpu.memory_space<vmem>>, %arg6: memref<128x1xf32, #tpu.memory_space<vmem>>, %arg7: memref<128x1xf32, #tpu.memory_space<vmem>>, %arg8: memref<128x2048xf32, #tpu.memory_space<vmem>>) attributes {dimension_semantics = [#tpu.dimension_semantics<arbitrary>, #tpu.dimension_semantics<arbitrary>], iteration_bounds = array<i64: 8, 8>, scalar_prefetch = 0 : i64, scratch_operands = 0 : i64, tpu.core_type = #tpu.core_type<tc>, window_params = [{pipeline_mode = #tpu.pipeline_mode<synchronous>, transform_indices = @transform_0, window_bounds = array<i64: 8, 1, 2048>}, {pipeline_mode = #tpu.pipeline_mode<synchronous>, transform_indices = @transform_1, window_bounds = array<i64: 8, 1, 2048>}, {pipeline_mode = #tpu.pipeline_mode<synchronous>, transform_indices = @transform_2, window_bounds = array<i64: 8, 1, 2048>}, {transform_indices = @transform_3, window_bounds = array<i64: 128, 1>}, {transform_indices = @transform_4, window_bounds = array<i64: 128, 1>}, {transform_indices = @transform_5, window_bounds = array<i64: 128, 1>}, {transform_indices = @transform_6, window_bounds = array<i64: 128, 2048>}]} {
    %get3A = arith.constant 0 : index
    %get3A_0 = arith.constant 0 : index
    %get3A_1 = vector.load %arg5[%get3A, %get3A_0] : memref<128x1xf32, #tpu.memory_space<vmem>>, vector<128x1xf32>
    %get3A_2 = arith.constant 0 : index
    %get3A_3 = arith.constant 0 : index
    %get3A_4 = vector.load %arg6[%get3A_2, %get3A_3] : memref<128x1xf32, #tpu.memory_space<vmem>>, vector<128x1xf32>
    %get3A_5 = arith.constant 0 : index
    %get3A_6 = arith.constant 0 : index
    %get3A_7 = vector.load %arg7[%get3A_5, %get3A_6] : memref<128x1xf32, #tpu.memory_space<vmem>>, vector<128x1xf32>
    %get3A_8 = arith.index_cast %arg1 : i32 to index
    %get3A_9 = arith.constant 0 : index
    %get3A_10 = arith.constant 0 : index
    %get3A_11 = vector.load %arg2[%get3A_8, %get3A_9, %get3A_10] : memref<8x1x2048xf32, #tpu.memory_space<vmem>>, vector<1x1x2048xf32>
    %get3A_12 = vector.shape_cast %get3A_11 : vector<1x1x2048xf32> to vector<1x2048xf32>
    %sub3A = vector.broadcast %get3A_1 : vector<128x1xf32> to vector<128x2048xf32>
    %sub3A_13 = vector.broadcast %get3A_12 : vector<1x2048xf32> to vector<128x2048xf32>
    %sub3A_14 = arith.subf %sub3A, %sub3A_13 : vector<128x2048xf32>
    %get3A_15 = arith.index_cast %arg1 : i32 to index
    %get3A_16 = arith.constant 0 : index
    %get3A_17 = arith.constant 0 : index
    %get3A_18 = vector.load %arg3[%get3A_15, %get3A_16, %get3A_17] : memref<8x1x2048xf32, #tpu.memory_space<vmem>>, vector<1x1x2048xf32>
    %get3A_19 = vector.shape_cast %get3A_18 : vector<1x1x2048xf32> to vector<1x2048xf32>
    %sub3A_20 = vector.broadcast %get3A_4 : vector<128x1xf32> to vector<128x2048xf32>
    %sub3A_21 = vector.broadcast %get3A_19 : vector<1x2048xf32> to vector<128x2048xf32>
    %sub3A_22 = arith.subf %sub3A_20, %sub3A_21 : vector<128x2048xf32>
    %get3A_23 = arith.index_cast %arg1 : i32 to index
    %get3A_24 = arith.constant 0 : index
    %get3A_25 = arith.constant 0 : index
    %get3A_26 = vector.load %arg4[%get3A_23, %get3A_24, %get3A_25] : memref<8x1x2048xf32, #tpu.memory_space<vmem>>, vector<1x1x2048xf32>
    %get3A_27 = vector.shape_cast %get3A_26 : vector<1x1x2048xf32> to vector<1x2048xf32>
    %sub3A_28 = vector.broadcast %get3A_7 : vector<128x1xf32> to vector<128x2048xf32>
    %sub3A_29 = vector.broadcast %get3A_27 : vector<1x2048xf32> to vector<128x2048xf32>
    %sub3A_30 = arith.subf %sub3A_28, %sub3A_29 : vector<128x2048xf32>
    %mul3A = arith.mulf %sub3A_14, %sub3A_14 : vector<128x2048xf32>
    %mul3A_31 = arith.mulf %sub3A_22, %sub3A_22 : vector<128x2048xf32>
    %add3A = arith.addf %mul3A, %mul3A_31 : vector<128x2048xf32>
    %mul3A_32 = arith.mulf %sub3A_30, %sub3A_30 : vector<128x2048xf32>
    %add3A_33 = arith.addf %add3A, %mul3A_32 : vector<128x2048xf32>
    %gt3A = arith.constant 2.500000e-01 : f32
    %gt3A_34 = vector.broadcast %gt3A : f32 to vector<128x2048xf32>
    %gt3A_35 = arith.cmpf ogt, %add3A_33, %gt3A_34 : vector<128x2048xf32>
    %jit3A = arith.constant 1.000000e+09 : f32
    %broadcast_in_dim3A = vector.broadcast %jit3A : f32 to vector<128x2048xf32>
    %select_n3A = arith.select %gt3A_35, %broadcast_in_dim3A, %add3A_33 : vector<128x2048xi1>, vector<128x2048xf32>
    %swap3A = arith.constant 0 : index
    %swap3A_36 = arith.constant 0 : index
    %swap3A_37 = vector.load %arg8[%swap3A, %swap3A_36] : memref<128x2048xf32, #tpu.memory_space<vmem>>, vector<128x2048xf32>
    tpu.vector_store %arg8[%swap3A, %swap3A_36], %select_n3A {strides = array<i32>} : memref<128x2048xf32, #tpu.memory_space<vmem>>, vector<128x2048xf32>,
    return
  }
  func.func @transform_0(%arg0: i32, %arg1: i32) -> (i32, i32, i32) {
    %c0_i32 = arith.constant 0 : i32
    %c0_i32_0 = arith.constant 0 : i32
    %c0_i32_1 = arith.constant 0 : i32
    %c0_i32_2 = arith.constant 0 : i32
    return %c0_i32, %c0_i32_0, %c0_i32_1 : i32, i32, i32
  }
  func.func @transform_1(%arg0: i32, %arg1: i32) -> (i32, i32, i32) {
    %c0_i32 = arith.constant 0 : i32
    %c0_i32_0 = arith.constant 0 : i32
    %c0_i32_1 = arith.constant 0 : i32
    %c0_i32_2 = arith.constant 0 : i32
    return %c0_i32, %c0_i32_0, %c0_i32_1 : i32, i32, i32
  }
  func.func @transform_2(%arg0: i32, %arg1: i32) -> (i32, i32, i32) {
    %c0_i32 = arith.constant 0 : i32
    %c0_i32_0 = arith.constant 0 : i32
    %c0_i32_1 = arith.constant 0 : i32
    %c0_i32_2 = arith.constant 0 : i32
    return %c0_i32, %c0_i32_0, %c0_i32_1 : i32, i32, i32
  }
  func.func @transform_3(%arg0: i32, %arg1: i32) -> (i32, i32) {
    %c0_i32 = arith.constant 0 : i32
    %c0_i32_0 = arith.constant 0 : i32
    return %arg0, %c0_i32 : i32, i32
  }
  func.func @transform_4(%arg0: i32, %arg1: i32) -> (i32, i32) {
    %c0_i32 = arith.constant 0 : i32
    %c0_i32_0 = arith.constant 0 : i32
    return %arg0, %c0_i32 : i32, i32
  }
  func.func @transform_5(%arg0: i32, %arg1: i32) -> (i32, i32) {
    %c0_i32 = arith.constant 0 : i32
    %c0_i32_0 = arith.constant 0 : i32
    return %arg0, %c0_i32 : i32, i32
  }
  func.func @transform_6(%arg0: i32, %arg1: i32) -> (i32, i32) {
    %c0_i32 = arith.constant 0 : i32
    return %arg0, %arg1 : i32, i32
  }
}

module attributes {stable_mosaic.version = 14 : i64} {
  func.func @_fps_body(%arg0: memref<128x128xf32, #tpu.memory_space<vmem>>, %arg1: memref<128x128xf32, #tpu.memory_space<vmem>>, %arg2: memref<128x128xf32, #tpu.memory_space<vmem>>, %arg3: memref<8x128xi32, #tpu.memory_space<vmem>>, %arg4: memref<8x128xf32, #tpu.memory_space<vmem>>, %arg5: memref<8x128xf32, #tpu.memory_space<vmem>>, %arg6: memref<8x128xf32, #tpu.memory_space<vmem>>, %arg7: memref<128x128xf32, #tpu.memory_space<vmem>>) attributes {dimension_semantics = [], scalar_prefetch = 0 : i64, scratch_operands = 1 : i64, tpu.core_type = #tpu.core_type<tc>} {
    %iota3A = tpu.iota {dimensions = array<i32: 0>} : vector<128x128xi32>
    %mul3A = arith.constant 128 : i32
    %mul3A_0 = vector.broadcast %mul3A : i32 to vector<128x128xi32>
    %mul3A_1 = arith.muli %iota3A, %mul3A_0 : vector<128x128xi32>
    %iota3A_2 = tpu.iota {dimensions = array<i32: 1>} : vector<128x128xi32>
    %add3A = arith.addi %mul3A_1, %iota3A_2 : vector<128x128xi32>
    %iota3A_3 = tpu.iota {dimensions = array<i32: 0>} : vector<8x128xi32>
    %iota3A_4 = tpu.iota {dimensions = array<i32: 1>} : vector<8x128xi32>
    %broadcast_in_dim3A = arith.constant 0x7F800000 : f32
    %broadcast_in_dim3A_5 = vector.broadcast %broadcast_in_dim3A : f32 to vector<128x128xf32>
    %swap3A = arith.constant 0 : index
    %swap3A_6 = arith.constant 0 : index
    %swap3A_7 = vector.load %arg7[%swap3A, %swap3A_6] : memref<128x128xf32, #tpu.memory_space<vmem>>, vector<128x128xf32>
    tpu.vector_store %arg7[%swap3A, %swap3A_6], %broadcast_in_dim3A_5 {strides = array<i32>} : memref<128x128xf32, #tpu.memory_space<vmem>>, vector<128x128xf32>,
    %broadcast_in_dim3A_8 = arith.constant 0 : i32
    %broadcast_in_dim3A_9 = vector.broadcast %broadcast_in_dim3A_8 : i32 to vector<1x1xi32>
    %get3A = arith.constant 0 : index
    %get3A_10 = arith.constant 0 : index
    %get3A_11 = vector.load %arg0[%get3A, %get3A_10] : memref<128x128xf32, #tpu.memory_space<vmem>>, vector<1x1xf32>
    %get3A_12 = arith.constant 0 : index
    %get3A_13 = arith.constant 0 : index
    %get3A_14 = vector.load %arg1[%get3A_12, %get3A_13] : memref<128x128xf32, #tpu.memory_space<vmem>>, vector<1x1xf32>
    %get3A_15 = arith.constant 0 : index
    %get3A_16 = arith.constant 0 : index
    %get3A_17 = vector.load %arg2[%get3A_15, %get3A_16] : memref<128x128xf32, #tpu.memory_space<vmem>>, vector<1x1xf32>
    %broadcast_in_dim3A_18 = arith.constant 0 : i32
    %broadcast_in_dim3A_19 = vector.broadcast %broadcast_in_dim3A_18 : i32 to vector<8x128xi32>
    %broadcast_in_dim3A_20 = arith.constant 0.000000e+00 : f32
    %broadcast_in_dim3A_21 = vector.broadcast %broadcast_in_dim3A_20 : f32 to vector<8x128xf32>
    %broadcast_in_dim3A_22 = arith.constant 0.000000e+00 : f32
    %broadcast_in_dim3A_23 = vector.broadcast %broadcast_in_dim3A_22 : f32 to vector<8x128xf32>
    %broadcast_in_dim3A_24 = arith.constant 0.000000e+00 : f32
    %broadcast_in_dim3A_25 = vector.broadcast %broadcast_in_dim3A_24 : f32 to vector<8x128xf32>
    %scan3A = arith.constant 0x7F800000 : f32
    %scan3A_26 = arith.constant 0.000000e+00 : f32
    %scan3A_27 = arith.constant 0 : i32
    %scan3A_28 = arith.constant 1024 : i32
    %scan3A_29 = arith.addi %scan3A_27, %scan3A_28 : i32
    %scan3A_30 = arith.constant 1 : i32
    %scan3A_31:8 = scf.for %scan3A_45 = %scan3A_27 to %scan3A_29 step %scan3A_30 iter_args(%scan3A_46 = %broadcast_in_dim3A_9, %scan3A_47 = %get3A_11, %scan3A_48 = %get3A_14, %scan3A_49 = %get3A_17, %scan3A_50 = %broadcast_in_dim3A_19, %scan3A_51 = %broadcast_in_dim3A_21, %scan3A_52 = %broadcast_in_dim3A_23, %scan3A_53 = %broadcast_in_dim3A_25) -> (vector<1x1xi32>, vector<1x1xf32>, vector<1x1xf32>, vector<1x1xf32>, vector<8x128xi32>, vector<8x128xf32>, vector<8x128xf32>, vector<8x128xf32>)  : i32 {
      %jit3A = arith.constant 128 : i32
      %div3A = arith.divsi %scan3A_45, %jit3A : i32
      %sign3A = arith.constant 0 : i32
      %sign3A_54 = arith.cmpi sgt, %scan3A_45, %sign3A : i32
      %sign3A_55 = arith.extui %sign3A_54 : i1 to i32
      %sign3A_56 = arith.constant 0 : i32
      %sign3A_57 = arith.cmpi slt, %scan3A_45, %sign3A_56 : i32
      %sign3A_58 = arith.extui %sign3A_57 : i1 to i32
      %sign3A_59 = arith.subi %sign3A_55, %sign3A_58 : i32
      %sign3A_60 = arith.constant 0 : i32
      %sign3A_61 = arith.cmpi sgt, %jit3A, %sign3A_60 : i32
      %sign3A_62 = arith.extui %sign3A_61 : i1 to i32
      %sign3A_63 = arith.constant 0 : i32
      %sign3A_64 = arith.cmpi slt, %jit3A, %sign3A_63 : i32
      %sign3A_65 = arith.extui %sign3A_64 : i1 to i32
      %sign3A_66 = arith.subi %sign3A_62, %sign3A_65 : i32
      %ne3A = arith.cmpi ne, %sign3A_59, %sign3A_66 : i32
      %rem3A = arith.remsi %scan3A_45, %jit3A : i32
      %ne3A_67 = arith.constant 0 : i32
      %ne3A_68 = arith.cmpi ne, %rem3A, %ne3A_67 : i32
      %and3A = arith.andi %ne3A, %ne3A_68 : i1
      %sub3A = arith.constant 1 : i32
      %sub3A_69 = arith.subi %div3A, %sub3A : i32
      %select_n3A = arith.select %and3A, %sub3A_69, %div3A : i32
      %mul3A_70 = arith.constant 128 : i32
      %mul3A_71 = arith.muli %select_n3A, %mul3A_70 : i32
      %sub3A_72 = arith.subi %scan3A_45, %mul3A_71 : i32
      %eq3A = vector.broadcast %select_n3A : i32 to vector<8x128xi32>
      %eq3A_73 = arith.cmpi eq, %iota3A_3, %eq3A : vector<8x128xi32>
      %eq3A_74 = vector.broadcast %sub3A_72 : i32 to vector<8x128xi32>
      %eq3A_75 = arith.cmpi eq, %iota3A_4, %eq3A_74 : vector<8x128xi32>
      %and3A_76 = arith.andi %eq3A_73, %eq3A_75 : vector<8x128xi1>
      %broadcast_in_dim3A_77 = vector.shape_cast %scan3A_46 : vector<1x1xi32> to vector<1x1xi32>
      %broadcast_in_dim3A_78 = vector.broadcast %broadcast_in_dim3A_77 : vector<1x1xi32> to vector<8x128xi32>
      %select_n3A_79 = arith.select %and3A_76, %broadcast_in_dim3A_78, %scan3A_50 : vector<8x128xi1>, vector<8x128xi32>
      %broadcast_in_dim3A_80 = vector.shape_cast %scan3A_47 : vector<1x1xf32> to vector<1x1xf32>
      %broadcast_in_dim3A_81 = vector.broadcast %broadcast_in_dim3A_80 : vector<1x1xf32> to vector<8x128xf32>
      %select_n3A_82 = arith.select %and3A_76, %broadcast_in_dim3A_81, %scan3A_51 : vector<8x128xi1>, vector<8x128xf32>
      %broadcast_in_dim3A_83 = vector.shape_cast %scan3A_48 : vector<1x1xf32> to vector<1x1xf32>
      %broadcast_in_dim3A_84 = vector.broadcast %broadcast_in_dim3A_83 : vector<1x1xf32> to vector<8x128xf32>
      %select_n3A_85 = arith.select %and3A_76, %broadcast_in_dim3A_84, %scan3A_52 : vector<8x128xi1>, vector<8x128xf32>
      %broadcast_in_dim3A_86 = vector.shape_cast %scan3A_49 : vector<1x1xf32> to vector<1x1xf32>
      %broadcast_in_dim3A_87 = vector.broadcast %broadcast_in_dim3A_86 : vector<1x1xf32> to vector<8x128xf32>
      %select_n3A_88 = arith.select %and3A_76, %broadcast_in_dim3A_87, %scan3A_53 : vector<8x128xi1>, vector<8x128xf32>
      %get3A_89 = arith.constant 0 : index
      %get3A_90 = arith.constant 0 : index
      %get3A_91 = vector.load %arg0[%get3A_89, %get3A_90] : memref<128x128xf32, #tpu.memory_space<vmem>>, vector<128x128xf32>
      %sub3A_92 = vector.broadcast %scan3A_47 : vector<1x1xf32> to vector<128x128xf32>
      %sub3A_93 = arith.subf %get3A_91, %sub3A_92 : vector<128x128xf32>
      %mul3A_94 = arith.mulf %sub3A_93, %sub3A_93 : vector<128x128xf32>
      %get3A_95 = arith.constant 0 : index
      %get3A_96 = arith.constant 0 : index
      %get3A_97 = vector.load %arg1[%get3A_95, %get3A_96] : memref<128x128xf32, #tpu.memory_space<vmem>>, vector<128x128xf32>
      %sub3A_98 = vector.broadcast %scan3A_48 : vector<1x1xf32> to vector<128x128xf32>
      %sub3A_99 = arith.subf %get3A_97, %sub3A_98 : vector<128x128xf32>
      %mul3A_100 = arith.mulf %sub3A_99, %sub3A_99 : vector<128x128xf32>
      %add3A_101 = arith.addf %mul3A_94, %mul3A_100 : vector<128x128xf32>
      %get3A_102 = arith.constant 0 : index
      %get3A_103 = arith.constant 0 : index
      %get3A_104 = vector.load %arg2[%get3A_102, %get3A_103] : memref<128x128xf32, #tpu.memory_space<vmem>>, vector<128x128xf32>
      %sub3A_105 = vector.broadcast %scan3A_49 : vector<1x1xf32> to vector<128x128xf32>
      %sub3A_106 = arith.subf %get3A_104, %sub3A_105 : vector<128x128xf32>
      %mul3A_107 = arith.mulf %sub3A_106, %sub3A_106 : vector<128x128xf32>
      %add3A_108 = arith.addf %add3A_101, %mul3A_107 : vector<128x128xf32>
      %get3A_109 = arith.constant 0 : index
      %get3A_110 = arith.constant 0 : index
      %get3A_111 = vector.load %arg7[%get3A_109, %get3A_110] : memref<128x128xf32, #tpu.memory_space<vmem>>, vector<128x128xf32>
      %min3A = arith.minimumf %get3A_111, %add3A_108 : vector<128x128xf32>
      %swap3A_112 = arith.constant 0 : index
      %swap3A_113 = arith.constant 0 : index
      %swap3A_114 = vector.load %arg7[%swap3A_112, %swap3A_113] : memref<128x128xf32, #tpu.memory_space<vmem>>, vector<128x128xf32>
      tpu.vector_store %arg7[%swap3A_112, %swap3A_113], %min3A {strides = array<i32>} : memref<128x128xf32, #tpu.memory_space<vmem>>, vector<128x128xf32>,
      %reduce_max3A = vector.shape_cast %min3A : vector<128x128xf32> to vector<1x128x128xf32>
      %reduce_max3A_115 = arith.constant dense<0xFF800000> : vector<1xf32>
      %reduce_max3A_116 = vector.multi_reduction <maximumf>, %reduce_max3A, %reduce_max3A_115 [1, 2] : vector<1x128x128xf32> to vector<1xf32>
      %reduce_max3A_117 = vector.shape_cast %reduce_max3A_116 : vector<1xf32> to vector<1x1x1xf32>
      %reduce_max3A_118 = vector.extract %reduce_max3A_117[0, 0, 0] : f32 from vector<1x1x1xf32>
      %broadcast_in_dim3A_119 = vector.broadcast %reduce_max3A_118 : f32 to vector<1x1xf32>
      %eq3A_120 = vector.broadcast %broadcast_in_dim3A_119 : vector<1x1xf32> to vector<128x128xf32>
      %eq3A_121 = arith.cmpf oeq, %min3A, %eq3A_120 : vector<128x128xf32>
      %jit3A_122 = arith.constant 16384 : i32
      %broadcast_in_dim3A_123 = vector.broadcast %jit3A_122 : i32 to vector<128x128xi32>
      %select_n3A_124 = arith.select %eq3A_121, %add3A, %broadcast_in_dim3A_123 : vector<128x128xi1>, vector<128x128xi32>
      %reduce_min3A = vector.shape_cast %select_n3A_124 : vector<128x128xi32> to vector<1x128x128xi32>
      %reduce_min3A_125 = arith.constant dense<2147483647> : vector<1xi32>
      %reduce_min3A_126 = vector.multi_reduction <minsi>, %reduce_min3A, %reduce_min3A_125 [1, 2] : vector<1x128x128xi32> to vector<1xi32>
      %reduce_min3A_127 = vector.shape_cast %reduce_min3A_126 : vector<1xi32> to vector<1x1x1xi32>
      %reduce_min3A_128 = vector.extract %reduce_min3A_127[0, 0, 0] : i32 from vector<1x1x1xi32>
      %broadcast_in_dim3A_129 = vector.broadcast %reduce_min3A_128 : i32 to vector<1x1xi32>
      %convert_element_type3A = arith.extui %eq3A_121 : vector<128x128xi1> to vector<128x128xi32>
      %reduce_sum3A = vector.shape_cast %convert_element_type3A : vector<128x128xi32> to vector<1x128x128xi32>
      %reduce_sum3A_130 = arith.constant dense<0> : vector<1xi32>
      %reduce_sum3A_131 = vector.multi_reduction <add>, %reduce_sum3A, %reduce_sum3A_130 [1, 2] : vector<1x128x128xi32> to vector<1xi32>
      %reduce_sum3A_132 = vector.shape_cast %reduce_sum3A_131 : vector<1xi32> to vector<1x1x1xi32>
      %reduce_sum3A_133 = vector.extract %reduce_sum3A_132[0, 0, 0] : i32 from vector<1x1x1xi32>
      %get3A_134 = arith.constant 0 : index
      %get3A_135 = arith.constant 0 : index
      %get3A_136 = vector.load %arg0[%get3A_134, %get3A_135] : memref<128x128xf32, #tpu.memory_space<vmem>>, vector<128x128xf32>
      %broadcast_in_dim3A_137 = vector.broadcast %scan3A : f32 to vector<128x128xf32>
      %select_n3A_138 = arith.select %eq3A_121, %get3A_136, %broadcast_in_dim3A_137 : vector<128x128xi1>, vector<128x128xf32>
      %reduce_min3A_139 = vector.shape_cast %select_n3A_138 : vector<128x128xf32> to vector<1x128x128xf32>
      %reduce_min3A_140 = arith.constant dense<0x7F800000> : vector<1xf32>
      %reduce_min3A_141 = vector.multi_reduction <minimumf>, %reduce_min3A_139, %reduce_min3A_140 [1, 2] : vector<1x128x128xf32> to vector<1xf32>
      %reduce_min3A_142 = vector.shape_cast %reduce_min3A_141 : vector<1xf32> to vector<1x1x1xf32>
      %reduce_min3A_143 = vector.extract %reduce_min3A_142[0, 0, 0] : f32 from vector<1x1x1xf32>
      %broadcast_in_dim3A_144 = vector.broadcast %reduce_min3A_143 : f32 to vector<1x1xf32>
      %get3A_145 = arith.constant 0 : index
      %get3A_146 = arith.constant 0 : index
      %get3A_147 = vector.load %arg1[%get3A_145, %get3A_146] : memref<128x128xf32, #tpu.memory_space<vmem>>, vector<128x128xf32>
      %broadcast_in_dim3A_148 = vector.broadcast %scan3A : f32 to vector<128x128xf32>
      %select_n3A_149 = arith.select %eq3A_121, %get3A_147, %broadcast_in_dim3A_148 : vector<128x128xi1>, vector<128x128xf32>
      %reduce_min3A_150 = vector.shape_cast %select_n3A_149 : vector<128x128xf32> to vector<1x128x128xf32>
      %reduce_min3A_151 = arith.constant dense<0x7F800000> : vector<1xf32>
      %reduce_min3A_152 = vector.multi_reduction <minimumf>, %reduce_min3A_150, %reduce_min3A_151 [1, 2] : vector<1x128x128xf32> to vector<1xf32>
      %reduce_min3A_153 = vector.shape_cast %reduce_min3A_152 : vector<1xf32> to vector<1x1x1xf32>
      %reduce_min3A_154 = vector.extract %reduce_min3A_153[0, 0, 0] : f32 from vector<1x1x1xf32>
      %broadcast_in_dim3A_155 = vector.broadcast %reduce_min3A_154 : f32 to vector<1x1xf32>
      %get3A_156 = arith.constant 0 : index
      %get3A_157 = arith.constant 0 : index
      %get3A_158 = vector.load %arg2[%get3A_156, %get3A_157] : memref<128x128xf32, #tpu.memory_space<vmem>>, vector<128x128xf32>
      %broadcast_in_dim3A_159 = vector.broadcast %scan3A : f32 to vector<128x128xf32>
      %select_n3A_160 = arith.select %eq3A_121, %get3A_158, %broadcast_in_dim3A_159 : vector<128x128xi1>, vector<128x128xf32>
      %reduce_min3A_161 = vector.shape_cast %select_n3A_160 : vector<128x128xf32> to vector<1x128x128xf32>
      %reduce_min3A_162 = arith.constant dense<0x7F800000> : vector<1xf32>
      %reduce_min3A_163 = vector.multi_reduction <minimumf>, %reduce_min3A_161, %reduce_min3A_162 [1, 2] : vector<1x128x128xf32> to vector<1xf32>
      %reduce_min3A_164 = vector.shape_cast %reduce_min3A_163 : vector<1xf32> to vector<1x1x1xf32>
      %reduce_min3A_165 = vector.extract %reduce_min3A_164[0, 0, 0] : f32 from vector<1x1x1xf32>
      %broadcast_in_dim3A_166 = vector.broadcast %reduce_min3A_165 : f32 to vector<1x1xf32>
      %gt3A = arith.constant 1 : i32
      %gt3A_167 = arith.cmpi sgt, %reduce_sum3A_133, %gt3A : i32
      %convert_element_type3A_168 = arith.extui %gt3A_167 : i1 to i32
      %cond3A = arith.constant 0 : i32
      %cond3A_169 = arith.cmpi ne, %convert_element_type3A_168, %cond3A : i32
      %cond3A_170:3 = scf.if %cond3A_169 -> (vector<1x1xf32>, vector<1x1xf32>, vector<1x1xf32>) {
        %eq3A_171 = vector.broadcast %broadcast_in_dim3A_129 : vector<1x1xi32> to vector<128x128xi32>
        %eq3A_172 = arith.cmpi eq, %add3A, %eq3A_171 : vector<128x128xi32>
        %get3A_173 = arith.constant 0 : index
        %get3A_174 = arith.constant 0 : index
        %get3A_175 = vector.load %arg0[%get3A_173, %get3A_174] : memref<128x128xf32, #tpu.memory_space<vmem>>, vector<128x128xf32>
        %broadcast_in_dim3A_176 = vector.broadcast %scan3A_26 : f32 to vector<128x128xf32>
        %select_n3A_177 = arith.select %eq3A_172, %get3A_175, %broadcast_in_dim3A_176 : vector<128x128xi1>, vector<128x128xf32>
        %reduce_sum3A_178 = vector.shape_cast %select_n3A_177 : vector<128x128xf32> to vector<1x128x128xf32>
        %reduce_sum3A_179 = arith.constant dense<0.000000e+00> : vector<1xf32>
        %reduce_sum3A_180 = vector.multi_reduction <add>, %reduce_sum3A_178, %reduce_sum3A_179 [1, 2] : vector<1x128x128xf32> to vector<1xf32>
        %reduce_sum3A_181 = vector.shape_cast %reduce_sum3A_180 : vector<1xf32> to vector<1x1x1xf32>
        %reduce_sum3A_182 = vector.extract %reduce_sum3A_181[0, 0, 0] : f32 from vector<1x1x1xf32>
        %broadcast_in_dim3A_183 = vector.broadcast %reduce_sum3A_182 : f32 to vector<1x1xf32>
        %get3A_184 = arith.constant 0 : index
        %get3A_185 = arith.constant 0 : index
        %get3A_186 = vector.load %arg1[%get3A_184, %get3A_185] : memref<128x128xf32, #tpu.memory_space<vmem>>, vector<128x128xf32>
        %broadcast_in_dim3A_187 = vector.broadcast %scan3A_26 : f32 to vector<128x128xf32>
        %select_n3A_188 = arith.select %eq3A_172, %get3A_186, %broadcast_in_dim3A_187 : vector<128x128xi1>, vector<128x128xf32>
        %reduce_sum3A_189 = vector.shape_cast %select_n3A_188 : vector<128x128xf32> to vector<1x128x128xf32>
        %reduce_sum3A_190 = arith.constant dense<0.000000e+00> : vector<1xf32>
        %reduce_sum3A_191 = vector.multi_reduction <add>, %reduce_sum3A_189, %reduce_sum3A_190 [1, 2] : vector<1x128x128xf32> to vector<1xf32>
        %reduce_sum3A_192 = vector.shape_cast %reduce_sum3A_191 : vector<1xf32> to vector<1x1x1xf32>
        %reduce_sum3A_193 = vector.extract %reduce_sum3A_192[0, 0, 0] : f32 from vector<1x1x1xf32>
        %broadcast_in_dim3A_194 = vector.broadcast %reduce_sum3A_193 : f32 to vector<1x1xf32>
        %get3A_195 = arith.constant 0 : index
        %get3A_196 = arith.constant 0 : index
        %get3A_197 = vector.load %arg2[%get3A_195, %get3A_196] : memref<128x128xf32, #tpu.memory_space<vmem>>, vector<128x128xf32>
        %broadcast_in_dim3A_198 = vector.broadcast %scan3A_26 : f32 to vector<128x128xf32>
        %select_n3A_199 = arith.select %eq3A_172, %get3A_197, %broadcast_in_dim3A_198 : vector<128x128xi1>, vector<128x128xf32>
        %reduce_sum3A_200 = vector.shape_cast %select_n3A_199 : vector<128x128xf32> to vector<1x128x128xf32>
        %reduce_sum3A_201 = arith.constant dense<0.000000e+00> : vector<1xf32>
        %reduce_sum3A_202 = vector.multi_reduction <add>, %reduce_sum3A_200, %reduce_sum3A_201 [1, 2] : vector<1x128x128xf32> to vector<1xf32>
        %reduce_sum3A_203 = vector.shape_cast %reduce_sum3A_202 : vector<1xf32> to vector<1x1x1xf32>
        %reduce_sum3A_204 = vector.extract %reduce_sum3A_203[0, 0, 0] : f32 from vector<1x1x1xf32>
        %broadcast_in_dim3A_205 = vector.broadcast %reduce_sum3A_204 : f32 to vector<1x1xf32>
        scf.yield %broadcast_in_dim3A_183, %broadcast_in_dim3A_194, %broadcast_in_dim3A_205 : vector<1x1xf32>, vector<1x1xf32>, vector<1x1xf32>
      } else {
        scf.yield %broadcast_in_dim3A_144, %broadcast_in_dim3A_155, %broadcast_in_dim3A_166 : vector<1x1xf32>, vector<1x1xf32>, vector<1x1xf32>
      }
      scf.yield %broadcast_in_dim3A_129, %cond3A_170#0, %cond3A_170#1, %cond3A_170#2, %select_n3A_79, %select_n3A_82, %select_n3A_85, %select_n3A_88 : vector<1x1xi32>, vector<1x1xf32>, vector<1x1xf32>, vector<1x1xf32>, vector<8x128xi32>, vector<8x128xf32>, vector<8x128xf32>, vector<8x128xf32>
    }
    %scan3A_32 = arith.constant 1024 : i32
    %swap3A_33 = arith.constant 0 : index
    %swap3A_34 = arith.constant 0 : index
    %swap3A_35 = vector.load %arg3[%swap3A_33, %swap3A_34] : memref<8x128xi32, #tpu.memory_space<vmem>>, vector<8x128xi32>
    tpu.vector_store %arg3[%swap3A_33, %swap3A_34], %scan3A_31#4 {strides = array<i32>} : memref<8x128xi32, #tpu.memory_space<vmem>>, vector<8x128xi32>,
    %swap3A_36 = arith.constant 0 : index
    %swap3A_37 = arith.constant 0 : index
    %swap3A_38 = vector.load %arg4[%swap3A_36, %swap3A_37] : memref<8x128xf32, #tpu.memory_space<vmem>>, vector<8x128xf32>
    tpu.vector_store %arg4[%swap3A_36, %swap3A_37], %scan3A_31#5 {strides = array<i32>} : memref<8x128xf32, #tpu.memory_space<vmem>>, vector<8x128xf32>,
    %swap3A_39 = arith.constant 0 : index
    %swap3A_40 = arith.constant 0 : index
    %swap3A_41 = vector.load %arg5[%swap3A_39, %swap3A_40] : memref<8x128xf32, #tpu.memory_space<vmem>>, vector<8x128xf32>
    tpu.vector_store %arg5[%swap3A_39, %swap3A_40], %scan3A_31#6 {strides = array<i32>} : memref<8x128xf32, #tpu.memory_space<vmem>>, vector<8x128xf32>,
    %swap3A_42 = arith.constant 0 : index
    %swap3A_43 = arith.constant 0 : index
    %swap3A_44 = vector.load %arg6[%swap3A_42, %swap3A_43] : memref<8x128xf32, #tpu.memory_space<vmem>>, vector<8x128xf32>
    tpu.vector_store %arg6[%swap3A_42, %swap3A_43], %scan3A_31#7 {strides = array<i32>} : memref<8x128xf32, #tpu.memory_space<vmem>>, vector<8x128xf32>,
    return
  }
}

module attributes {stable_mosaic.version = 14 : i64} {
  func.func @_sel_body(%arg0: i32, %arg1: memref<128x1024xf32, #tpu.memory_space<vmem>>, %arg2: memref<128x1024xi32, #tpu.memory_space<vmem>>, %arg3: memref<128x128xf32, #tpu.memory_space<vmem>>, %arg4: memref<128x32xi32, #tpu.memory_space<vmem>>, %arg5: memref<128x1024xf32, #tpu.memory_space<vmem>>, %arg6: memref<128x128xf32, #tpu.memory_space<vmem>>) attributes {dimension_semantics = [#tpu.dimension_semantics<arbitrary>], iteration_bounds = array<i64: 8>, scalar_prefetch = 0 : i64, scratch_operands = 2 : i64, tpu.core_type = #tpu.core_type<tc>, window_params = [{transform_indices = @transform_0, window_bounds = array<i64: 128, 1024>}, {transform_indices = @transform_1, window_bounds = array<i64: 128, 1024>}, {transform_indices = @transform_2, window_bounds = array<i64: 128, 128>}, {transform_indices = @transform_3, window_bounds = array<i64: 128, 32>}]} {
    %get3A = arith.constant 0 : index
    %get3A_0 = arith.constant 0 : index
    %get3A_1 = vector.load %arg2[%get3A, %get3A_0] : memref<128x1024xi32, #tpu.memory_space<vmem>>, vector<128x1024xi32>
    %get3A_2 = arith.constant 0 : index
    %get3A_3 = arith.constant 0 : index
    %get3A_4 = vector.load %arg1[%get3A_2, %get3A_3] : memref<128x1024xf32, #tpu.memory_space<vmem>>, vector<128x1024xf32>
    %swap3A = arith.constant 0 : index
    %swap3A_5 = arith.constant 0 : index
    %swap3A_6 = vector.load %arg5[%swap3A, %swap3A_5] : memref<128x1024xf32, #tpu.memory_space<vmem>>, vector<128x1024xf32>
    tpu.vector_store %arg5[%swap3A, %swap3A_5], %get3A_4 {strides = array<i32>} : memref<128x1024xf32, #tpu.memory_space<vmem>>, vector<128x1024xf32>,
    %get3A_7 = arith.constant 0 : index
    %get3A_8 = arith.constant 0 : index
    %get3A_9 = vector.load %arg3[%get3A_7, %get3A_8] : memref<128x128xf32, #tpu.memory_space<vmem>>, vector<128x128xf32>
    %iota3A = tpu.iota {dimensions = array<i32: 1>} : vector<128x128xi32>
    %eq3A = arith.constant 1.000000e+09 : f32
    %eq3A_10 = vector.broadcast %eq3A : f32 to vector<128x128xf32>
    %eq3A_11 = arith.cmpf oeq, %get3A_9, %eq3A_10 : vector<128x128xf32>
    %jit3A = arith.constant 1.000000e+09 : f32
    %jit3A_12 = arith.constant 0x7F800000 : f32
    %broadcast_in_dim3A = vector.broadcast %jit3A : f32 to vector<128x128xf32>
    %broadcast_in_dim3A_13 = vector.broadcast %jit3A_12 : f32 to vector<128x128xf32>
    %select_n3A = arith.select %eq3A_11, %broadcast_in_dim3A, %broadcast_in_dim3A_13 : vector<128x128xi1>, vector<128x128xf32>
    %swap3A_14 = arith.constant 0 : index
    %swap3A_15 = arith.constant 0 : index
    %swap3A_16 = vector.load %arg6[%swap3A_14, %swap3A_15] : memref<128x128xf32, #tpu.memory_space<vmem>>, vector<128x128xf32>
    tpu.vector_store %arg6[%swap3A_14, %swap3A_15], %select_n3A {strides = array<i32>} : memref<128x128xf32, #tpu.memory_space<vmem>>, vector<128x128xf32>,
    %iota3A_17 = tpu.iota {dimensions = array<i32: 1>} : vector<128x32xi32>
    %broadcast_in_dim3A_18 = arith.constant 0 : i32
    %broadcast_in_dim3A_19 = vector.broadcast %broadcast_in_dim3A_18 : i32 to vector<128x32xi32>
    %scan3A = arith.constant 0 : i32
    %scan3A_20 = arith.constant 32 : i32
    %scan3A_21 = arith.addi %scan3A, %scan3A_20 : i32
    %scan3A_22 = arith.constant 1 : i32
    %scan3A_23 = scf.for %scan3A_28 = %scan3A to %scan3A_21 step %scan3A_22 iter_args(%scan3A_29 = %broadcast_in_dim3A_19) -> (vector<128x32xi32>)  : i32 {
      %get3A_30 = arith.constant 0 : index
      %get3A_31 = arith.constant 0 : index
      %get3A_32 = vector.load %arg5[%get3A_30, %get3A_31] : memref<128x1024xf32, #tpu.memory_space<vmem>>, vector<128x1024xf32>
      %get3A_33 = arith.constant 0 : index
      %get3A_34 = arith.constant 0 : index
      %get3A_35 = vector.load %arg6[%get3A_33, %get3A_34] : memref<128x128xf32, #tpu.memory_space<vmem>>, vector<128x128xf32>
      %reduce_min3A = arith.constant dense<0x7F800000> : vector<128xf32>
      %reduce_min3A_36 = vector.multi_reduction <minimumf>, %get3A_32, %reduce_min3A [1] : vector<128x1024xf32> to vector<128xf32>
      %broadcast_in_dim3A_37 = vector.shape_cast %reduce_min3A_36 : vector<128xf32> to vector<128x1xf32>
      %reduce_min3A_38 = arith.constant dense<0x7F800000> : vector<128xf32>
      %reduce_min3A_39 = vector.multi_reduction <minimumf>, %get3A_35, %reduce_min3A_38 [1] : vector<128x128xf32> to vector<128xf32>
      %broadcast_in_dim3A_40 = vector.shape_cast %reduce_min3A_39 : vector<128xf32> to vector<128x1xf32>
      %min3A = arith.minimumf %broadcast_in_dim3A_37, %broadcast_in_dim3A_40 : vector<128x1xf32>
      %eq3A_41 = vector.broadcast %min3A : vector<128x1xf32> to vector<128x1024xf32>
      %eq3A_42 = arith.cmpf oeq, %get3A_32, %eq3A_41 : vector<128x1024xf32>
      %jit3A_43 = arith.constant 16384 : i32
      %broadcast_in_dim3A_44 = vector.broadcast %jit3A_43 : i32 to vector<128x1024xi32>
      %select_n3A_45 = arith.select %eq3A_42, %get3A_1, %broadcast_in_dim3A_44 : vector<128x1024xi1>, vector<128x1024xi32>
      %reduce_min3A_46 = arith.constant dense<2147483647> : vector<128xi32>
      %reduce_min3A_47 = vector.multi_reduction <minsi>, %select_n3A_45, %reduce_min3A_46 [1] : vector<128x1024xi32> to vector<128xi32>
      %broadcast_in_dim3A_48 = vector.shape_cast %reduce_min3A_47 : vector<128xi32> to vector<128x1xi32>
      %eq3A_49 = vector.broadcast %min3A : vector<128x1xf32> to vector<128x128xf32>
      %eq3A_50 = arith.cmpf oeq, %get3A_35, %eq3A_49 : vector<128x128xf32>
      %jit3A_51 = arith.constant 16384 : i32
      %broadcast_in_dim3A_52 = vector.broadcast %jit3A_51 : i32 to vector<128x128xi32>
      %select_n3A_53 = arith.select %eq3A_50, %iota3A, %broadcast_in_dim3A_52 : vector<128x128xi1>, vector<128x128xi32>
      %reduce_min3A_54 = arith.constant dense<2147483647> : vector<128xi32>
      %reduce_min3A_55 = vector.multi_reduction <minsi>, %select_n3A_53, %reduce_min3A_54 [1] : vector<128x128xi32> to vector<128xi32>
      %broadcast_in_dim3A_56 = vector.shape_cast %reduce_min3A_55 : vector<128xi32> to vector<128x1xi32>
      %min3A_57 = arith.minsi %broadcast_in_dim3A_48, %broadcast_in_dim3A_56 : vector<128x1xi32>
      %eq3A_58 = vector.broadcast %min3A_57 : vector<128x1xi32> to vector<128x1024xi32>
      %eq3A_59 = arith.cmpi eq, %get3A_1, %eq3A_58 : vector<128x1024xi32>
      %jit3A_60 = arith.constant 0x7F800000 : f32
      %broadcast_in_dim3A_61 = vector.broadcast %jit3A_60 : f32 to vector<128x1024xf32>
      %select_n3A_62 = arith.select %eq3A_59, %broadcast_in_dim3A_61, %get3A_32 : vector<128x1024xi1>, vector<128x1024xf32>
      %swap3A_63 = arith.constant 0 : index
      %swap3A_64 = arith.constant 0 : index
      %swap3A_65 = vector.load %arg5[%swap3A_63, %swap3A_64] : memref<128x1024xf32, #tpu.memory_space<vmem>>, vector<128x1024xf32>
      tpu.vector_store %arg5[%swap3A_63, %swap3A_64], %select_n3A_62 {strides = array<i32>} : memref<128x1024xf32, #tpu.memory_space<vmem>>, vector<128x1024xf32>,
      %eq3A_66 = vector.broadcast %min3A_57 : vector<128x1xi32> to vector<128x128xi32>
      %eq3A_67 = arith.cmpi eq, %iota3A, %eq3A_66 : vector<128x128xi32>
      %jit3A_68 = arith.constant 0x7F800000 : f32
      %broadcast_in_dim3A_69 = vector.broadcast %jit3A_68 : f32 to vector<128x128xf32>
      %select_n3A_70 = arith.select %eq3A_67, %broadcast_in_dim3A_69, %get3A_35 : vector<128x128xi1>, vector<128x128xf32>
      %swap3A_71 = arith.constant 0 : index
      %swap3A_72 = arith.constant 0 : index
      %swap3A_73 = vector.load %arg6[%swap3A_71, %swap3A_72] : memref<128x128xf32, #tpu.memory_space<vmem>>, vector<128x128xf32>
      tpu.vector_store %arg6[%swap3A_71, %swap3A_72], %select_n3A_70 {strides = array<i32>} : memref<128x128xf32, #tpu.memory_space<vmem>>, vector<128x128xf32>,
      %eq3A_74 = vector.broadcast %scan3A_28 : i32 to vector<128x32xi32>
      %eq3A_75 = arith.cmpi eq, %iota3A_17, %eq3A_74 : vector<128x32xi32>
      %broadcast_in_dim3A_76 = vector.shape_cast %min3A_57 : vector<128x1xi32> to vector<128x1xi32>
      %broadcast_in_dim3A_77 = vector.broadcast %broadcast_in_dim3A_76 : vector<128x1xi32> to vector<128x32xi32>
      %select_n3A_78 = arith.select %eq3A_75, %broadcast_in_dim3A_77, %scan3A_29 : vector<128x32xi1>, vector<128x32xi32>
      scf.yield %select_n3A_78 : vector<128x32xi32>
    }
    %scan3A_24 = arith.constant 32 : i32
    %swap3A_25 = arith.constant 0 : index
    %swap3A_26 = arith.constant 0 : index
    %swap3A_27 = vector.load %arg4[%swap3A_25, %swap3A_26] : memref<128x32xi32, #tpu.memory_space<vmem>>, vector<128x32xi32>
    tpu.vector_store %arg4[%swap3A_25, %swap3A_26], %scan3A_23 {strides = array<i32>} : memref<128x32xi32, #tpu.memory_space<vmem>>, vector<128x32xi32>,
    return
  }
  func.func @transform_0(%arg0: i32) -> (i32, i32) {
    %c0_i32 = arith.constant 0 : i32
    %c0_i32_0 = arith.constant 0 : i32
    return %arg0, %c0_i32 : i32, i32
  }
  func.func @transform_1(%arg0: i32) -> (i32, i32) {
    %c0_i32 = arith.constant 0 : i32
    %c0_i32_0 = arith.constant 0 : i32
    return %arg0, %c0_i32 : i32, i32
  }
  func.func @transform_2(%arg0: i32) -> (i32, i32) {
    %c0_i32 = arith.constant 0 : i32
    %c0_i32_0 = arith.constant 0 : i32
    return %arg0, %c0_i32 : i32, i32
  }
  func.func @transform_3(%arg0: i32) -> (i32, i32) {
    %c0_i32 = arith.constant 0 : i32
    %c0_i32_0 = arith.constant 0 : i32
    return %arg0, %c0_i32 : i32, i32
  }
}

module attributes {stable_mosaic.version = 14 : i64} {
  func.func @_mlp_body(%arg0: i32, %arg1: memref<1024x128xf32, #tpu.memory_space<vmem>>, %arg2: memref<1024x128xf32, #tpu.memory_space<vmem>>, %arg3: memref<128x64xf32, #tpu.memory_space<vmem>>, %arg4: memref<1x64xf32, #tpu.memory_space<vmem>>, %arg5: memref<64x128xf32, #tpu.memory_space<vmem>>, %arg6: memref<1x128xf32, #tpu.memory_space<vmem>>, %arg7: memref<1024x128xf32, #tpu.memory_space<vmem>>) attributes {dimension_semantics = [#tpu.dimension_semantics<arbitrary>], iteration_bounds = array<i64: 32>, scalar_prefetch = 0 : i64, scratch_operands = 0 : i64, tpu.core_type = #tpu.core_type<tc>, window_params = [{transform_indices = @transform_0, window_bounds = array<i64: 1024, 128>}, {pipeline_mode = #tpu.pipeline_mode<synchronous>, transform_indices = @transform_1, window_bounds = array<i64: 1024, 128>}, {pipeline_mode = #tpu.pipeline_mode<synchronous>, transform_indices = @transform_2, window_bounds = array<i64: 128, 64>}, {pipeline_mode = #tpu.pipeline_mode<synchronous>, transform_indices = @transform_3, window_bounds = array<i64: 1, 64>}, {pipeline_mode = #tpu.pipeline_mode<synchronous>, transform_indices = @transform_4, window_bounds = array<i64: 64, 128>}, {pipeline_mode = #tpu.pipeline_mode<synchronous>, transform_indices = @transform_5, window_bounds = array<i64: 1, 128>}, {pipeline_mode = #tpu.pipeline_mode<synchronous>, transform_indices = @transform_6, window_bounds = array<i64: 1024, 128>}]} {
    %get3A = arith.constant 0 : index
    %get3A_0 = arith.constant 0 : index
    %get3A_1 = vector.load %arg1[%get3A, %get3A_0] : memref<1024x128xf32, #tpu.memory_space<vmem>>, vector<1024x128xf32>
    %get3A_2 = arith.constant 0 : index
    %get3A_3 = arith.constant 0 : index
    %get3A_4 = vector.load %arg2[%get3A_2, %get3A_3] : memref<1024x128xf32, #tpu.memory_space<vmem>>, vector<1024x128xf32>
    %sub3A = arith.subf %get3A_1, %get3A_4 : vector<1024x128xf32>
    %get3A_5 = arith.constant 0 : index
    %get3A_6 = arith.constant 0 : index
    %get3A_7 = vector.load %arg3[%get3A_5, %get3A_6] : memref<128x64xf32, #tpu.memory_space<vmem>>, vector<128x64xf32>
    %dot_general3A = arith.constant dense<0.000000e+00> : vector<1024x64xf32>
    %dot_general3A_8 = tpu.matmul %sub3A, %get3A_7, %dot_general3A {dimension_numbers = #tpu.dot_dimension_numbers<[1], [0], [0], [1], [0, 0, 1, 1], [], []>, transpose_lhs_hint = false} : vector<1024x128xf32>, vector<128x64xf32>, vector<1024x64xf32> -> vector<1024x64xf32>
    %get3A_9 = arith.constant 0 : index
    %get3A_10 = arith.constant 0 : index
    %get3A_11 = vector.load %arg4[%get3A_9, %get3A_10] : memref<1x64xf32, #tpu.memory_space<vmem>>, vector<1x64xf32>
    %add3A = vector.broadcast %get3A_11 : vector<1x64xf32> to vector<1024x64xf32>
    %add3A_12 = arith.addf %dot_general3A_8, %add3A : vector<1024x64xf32>
    %mul3A = arith.constant 5.000000e-01 : f32
    %mul3A_13 = vector.broadcast %mul3A : f32 to vector<1024x64xf32>
    %mul3A_14 = arith.mulf %mul3A_13, %add3A_12 : vector<1024x64xf32>
    %mul3A_15 = arith.constant 0.707106769 : f32
    %mul3A_16 = vector.broadcast %mul3A_15 : f32 to vector<1024x64xf32>
    %mul3A_17 = arith.mulf %add3A_12, %mul3A_16 : vector<1024x64xf32>
    %erf3A = math.erf %mul3A_17 : vector<1024x64xf32>
    %add3A_18 = arith.constant 1.000000e+00 : f32
    %add3A_19 = vector.broadcast %add3A_18 : f32 to vector<1024x64xf32>
    %add3A_20 = arith.addf %add3A_19, %erf3A : vector<1024x64xf32>
    %mul3A_21 = arith.mulf %mul3A_14, %add3A_20 : vector<1024x64xf32>
    %get3A_22 = arith.constant 0 : index
    %get3A_23 = arith.constant 0 : index
    %get3A_24 = vector.load %arg5[%get3A_22, %get3A_23] : memref<64x128xf32, #tpu.memory_space<vmem>>, vector<64x128xf32>
    %dot_general3A_25 = arith.constant dense<0.000000e+00> : vector<1024x128xf32>
    %dot_general3A_26 = tpu.matmul %mul3A_21, %get3A_24, %dot_general3A_25 {dimension_numbers = #tpu.dot_dimension_numbers<[1], [0], [0], [1], [0, 0, 1, 1], [], []>, transpose_lhs_hint = false} : vector<1024x64xf32>, vector<64x128xf32>, vector<1024x128xf32> -> vector<1024x128xf32>
    %get3A_27 = arith.constant 0 : index
    %get3A_28 = arith.constant 0 : index
    %get3A_29 = vector.load %arg6[%get3A_27, %get3A_28] : memref<1x128xf32, #tpu.memory_space<vmem>>, vector<1x128xf32>
    %add3A_30 = vector.broadcast %get3A_29 : vector<1x128xf32> to vector<1024x128xf32>
    %add3A_31 = arith.addf %dot_general3A_26, %add3A_30 : vector<1024x128xf32>
    %mul3A_32 = arith.constant 5.000000e-01 : f32
    %mul3A_33 = vector.broadcast %mul3A_32 : f32 to vector<1024x128xf32>
    %mul3A_34 = arith.mulf %mul3A_33, %add3A_31 : vector<1024x128xf32>
    %mul3A_35 = arith.constant 0.707106769 : f32
    %mul3A_36 = vector.broadcast %mul3A_35 : f32 to vector<1024x128xf32>
    %mul3A_37 = arith.mulf %add3A_31, %mul3A_36 : vector<1024x128xf32>
    %erf3A_38 = math.erf %mul3A_37 : vector<1024x128xf32>
    %add3A_39 = arith.constant 1.000000e+00 : f32
    %add3A_40 = vector.broadcast %add3A_39 : f32 to vector<1024x128xf32>
    %add3A_41 = arith.addf %add3A_40, %erf3A_38 : vector<1024x128xf32>
    %mul3A_42 = arith.mulf %mul3A_34, %add3A_41 : vector<1024x128xf32>
    %eq3A = arith.constant 0 : i32
    %eq3A_43 = arith.cmpi eq, %arg0, %eq3A : i32
    %convert_element_type3A = arith.extui %eq3A_43 : i1 to i32
    %cond3A = arith.constant 0 : i32
    %cond3A_44 = arith.cmpi ne, %convert_element_type3A, %cond3A : i32
    scf.if %cond3A_44 {
      %swap3A = arith.constant 0 : index
      %swap3A_49 = arith.constant 0 : index
      %swap3A_50 = vector.load %arg7[%swap3A, %swap3A_49] : memref<1024x128xf32, #tpu.memory_space<vmem>>, vector<1024x128xf32>
      tpu.vector_store %arg7[%swap3A, %swap3A_49], %mul3A_42 {strides = array<i32>} : memref<1024x128xf32, #tpu.memory_space<vmem>>, vector<1024x128xf32>,
    } else {
    }
    %ne3A = arith.constant 0 : i32
    %ne3A_45 = arith.cmpi ne, %arg0, %ne3A : i32
    %convert_element_type3A_46 = arith.extui %ne3A_45 : i1 to i32
    %cond3A_47 = arith.constant 0 : i32
    %cond3A_48 = arith.cmpi ne, %convert_element_type3A_46, %cond3A_47 : i32
    scf.if %cond3A_48 {
      %get3A_49 = arith.constant 0 : index
      %get3A_50 = arith.constant 0 : index
      %get3A_51 = vector.load %arg7[%get3A_49, %get3A_50] : memref<1024x128xf32, #tpu.memory_space<vmem>>, vector<1024x128xf32>
      %max3A = arith.maximumf %get3A_51, %mul3A_42 : vector<1024x128xf32>
      %swap3A = arith.constant 0 : index
      %swap3A_52 = arith.constant 0 : index
      %swap3A_53 = vector.load %arg7[%swap3A, %swap3A_52] : memref<1024x128xf32, #tpu.memory_space<vmem>>, vector<1024x128xf32>
      tpu.vector_store %arg7[%swap3A, %swap3A_52], %max3A {strides = array<i32>} : memref<1024x128xf32, #tpu.memory_space<vmem>>, vector<1024x128xf32>,
    } else {
    }
    return
  }
  func.func @transform_0(%arg0: i32) -> (i32, i32) {
    %c0_i32 = arith.constant 0 : i32
    %c0_i32_0 = arith.constant 0 : i32
    return %arg0, %c0_i32 : i32, i32
  }
  func.func @transform_1(%arg0: i32) -> (i32, i32) {
    %c0_i32 = arith.constant 0 : i32
    %c0_i32_0 = arith.constant 0 : i32
    %c0_i32_1 = arith.constant 0 : i32
    return %c0_i32, %c0_i32_0 : i32, i32
  }
  func.func @transform_2(%arg0: i32) -> (i32, i32) {
    %c0_i32 = arith.constant 0 : i32
    %c0_i32_0 = arith.constant 0 : i32
    %c0_i32_1 = arith.constant 0 : i32
    return %c0_i32, %c0_i32_0 : i32, i32
  }
  func.func @transform_3(%arg0: i32) -> (i32, i32) {
    %c0_i32 = arith.constant 0 : i32
    %c0_i32_0 = arith.constant 0 : i32
    %c0_i32_1 = arith.constant 0 : i32
    return %c0_i32, %c0_i32_0 : i32, i32
  }
  func.func @transform_4(%arg0: i32) -> (i32, i32) {
    %c0_i32 = arith.constant 0 : i32
    %c0_i32_0 = arith.constant 0 : i32
    %c0_i32_1 = arith.constant 0 : i32
    return %c0_i32, %c0_i32_0 : i32, i32
  }
  func.func @transform_5(%arg0: i32) -> (i32, i32) {
    %c0_i32 = arith.constant 0 : i32
    %c0_i32_0 = arith.constant 0 : i32
    %c0_i32_1 = arith.constant 0 : i32
    return %c0_i32, %c0_i32_0 : i32, i32
  }
  func.func @transform_6(%arg0: i32) -> (i32, i32) {
    %c0_i32 = arith.constant 0 : i32
    %c0_i32_0 = arith.constant 0 : i32
    %c0_i32_1 = arith.constant 0 : i32
    return %c0_i32, %c0_i32_0 : i32, i32
  }
}

</mosaic_0001>

<sc_bundles>
// kernel: kernel.11.cloned.1.call-start
scs
__scs_entry_jumppad:
0x0: {  	(pc) =	sbr.rel $0x88, $3  }
0x1: {  	(tag) =	ssettag $0x0;
	lr =	simm.s32 $0x1  }
0x2: {  	[smem:$0x3F9B] =	sst lr;
	_ =	strace $0xD0000000  }
0x3: {  	_ = 	snop  }
0x4: {  	_ = 	snop  }
0x5: {  	_ = 	snop  }
0x6: {  	_ = 	snop  }
0x7: {  	_ = 	snop  }
__scs_overlays_trampoline_lowered:
0x8: {  	[smem:$0x3FAA] =	sst s0  }
0x9: {  	[smem:$0x3FAB] =	sst s1  }
0xa: {  	[smem:$0x3FAC] =	sst s2  }
0xb: {  	[smem:$0x3FAD] =	sst s3  }
0xc: {  	[smem:$0x3FAE] =	sst s4  }
0xd: {  	[smem:$0x3FAF] =	sst s5  }
0xe: {  	[smem:$0x3FB0] =	sst s6  }
0xf: {  	[smem:$0x3FB1] =	sst s7  }
0x10: {  	[smem:$0x3FB2] =	sst s8  }
0x11: {  	[smem:$0x3FB3] =	sst s9;
	s0 =	simm.s32 @!p0 $0x0  }
0x12: {  	s1 =	sld [smem:$0x3F99];
	s0 =	simm.s32 @p0 $0x1  }
0x13: {  	[smem:$0x3FB4] =	sst s0;
	s0 =	simm.s32 @!p1 $0x0  }
0x14: {  	s2 =	sld [smem:$0x3F98];
	s0 =	simm.s32 @p1 $0x1  }
0x15: {  	[smem:$0x3FB5] =	sst s0;
	s0 =	simm.s32 @!p2 $0x0  }
0x16: {  	s3 =	sld [smem:$0x3FDB];
	s0 =	simm.s32 @p2 $0x1  }
0x17: {  	s4 =	simm.s32 $0x1BF5;
	[smem:$0x3FB7] =	sst s0  }
0x18: {  	s0 =	sld [smem:$0x3F9A];
	_ =	swait.ge [sflag:s4], $0x0  }
0x19: {  	s7 =	sld [smem:$0x3F9B]  }
0x1a: {  	s8 =	sadd.s32 $0xFFFFE003, lr  }
0x1b: {  	s9 =	sadd.s32 $0xFFFFFEF7, lr;
	s5 =	simm.s32 $0xFFFFFFFF;
	p2 =	slt.u32 s8, $0xFFFFF086  }
0x1c: {  	p1 =	slt.u32 s9, $0xF7A;
	s5 =	simm.s32 @!p2 $0x0  }
0x1d: {  	s5 =	simm.s32 @p1 $0x1;
	p0 =	seq.s32 s7, s2  }
0x1e: {  	s7 =	smul.u32 @!p0 $0xF7A, s2;
	p2 =	seq.s32 @!p0 s5, $0x0  }
0x1f: {  	s9 =	smul.u32 $0xF7A, s1;
	s8 =	simm.s32 @!p0 $0x1BF5;
	p2 =	por !p2, p0  }
0x20: {  	[sflag:s8] =	ssyncset.s32 @!p0 $0xFFFFF086;
	s6 =	sadd.s32 @!p0 s3, s7;
	s7 =	simm.s32 @!p0 $0x108  }
0x21: {  	s3 =	sadd.s32 s3, s9;
	s6 =	sadd.s32 @!p0 $0x88, s6;
	s7 =	simm.s32 @p2 $0x1082  }
0x22: {  	[simem:s7], [sflag:s8] =	dma.local @!p0 [hbm:s6], $0xF7A  }
0x23: {  	s9 =	sor.u32 $0xD0000000, s2;
	s6 =	simm.s32 $0x108;
	_ =	swait.ge @!p0 [sflag:s8], $0x0  }
0x24: {  	s3 =	sadd.s32 $0x88, s3;
	s6 =	simm.s32 @!p1 $0x1082;
	[sflag:s4] =	ssyncset.s32 $0xFFFFF086  }
0x25: {  	[simem:s6], [sflag:s4] =	dma.local [hbm:s3], $0xF7A  }
0x26: {  	[smem:$0x3F9B] =	sst s1;
	(tag) =	ssettag s2;
	_ =	strace s9  }
0x27: {  	s1 =	sld [smem:$0x3FAB]  }
0x28: {  	s2 =	sld [smem:$0x3FAC]  }
0x29: {  	s4 =	sld [smem:$0x3FAE]  }
0x2a: {  	p0 =	seq.s32 s5, $0x0;
	s5 =	sld [smem:$0x3FAF]  }
0x2b: {  	s6 =	sld [smem:$0x3FB0]  }
0x2c: {  	s7 =	sld [smem:$0x3FB1]  }
0x2d: {  	s3 =	simm.s32 $0x108;
	s8 =	sld [smem:$0x3FB2]  }
0x2e: {  	s3 =	simm.s32 @!p0 $0x1082;
	s9 =	sld [smem:$0x3FB3]  }
0x2f: {  	lr =	sadd.s32 s0, s3;
	s0 =	sld [smem:$0x3FAA]  }
0x30: {  	s3 =	sld [smem:$0x3FAD]  }
0x31: {  	[smem:$0x3FB6] =	sst s10  }
0x32: {  	s10 =	sld [smem:$0x3FB4];
	_ =	sdelay $0x3  }
0x33: {  	p0 =	seq.s32 s10, $0x1;
	s10 =	sld [smem:$0x3FB6];
	_ =	sdelay $0x3  }
0x34: {  	[smem:$0x3FB6] =	sst s10  }
0x35: {  	s10 =	sld [smem:$0x3FB5];
	_ =	sdelay $0x3  }
0x36: {  	p1 =	seq.s32 s10, $0x1;
	s10 =	sld [smem:$0x3FB6];
	_ =	sdelay $0x3  }
0x37: {  	[smem:$0x3FB6] =	sst s10  }
0x38: {  	s10 =	sld [smem:$0x3FB7]  }
0x39: {  	_ = 	snop;
	(pc) =	sbr.ind lr, $3  }
0x3a: {  	_ = 	snop  }
0x3b: {  	_ = 	snop  }
0x3c: {  	p2 =	seq.s32 s10, $0x1;
	s10 =	sld [smem:$0x3FB6]  }
0x3d: {  	_ =	shalt  }
0x3e: {  	_ =	shalt  }
0x3f: {  	_ =	shalt  }
0x40: {  	_ =	shalt  }
0x41: {  	_ =	shalt  }
0x42: {  	_ =	shalt  }
0x43: {  	_ =	shalt  }
0x44: {  	_ =	shalt  }
0x45: {  	_ =	shalt  }
0x46: {  	_ =	shalt  }
0x47: {  	_ =	shalt  }
0x48: {  	_ =	shalt  }
0x49: {  	_ =	shalt  }
0x4a: {  	_ =	shalt  }
0x4b: {  	_ =	shalt  }
0x4c: {  	_ =	shalt  }
0x4d: {  	_ =	shalt  }
0x4e: {  	_ =	shalt  }
0x4f: {  	_ =	shalt  }
0x50: {  	_ =	shalt  }
0x51: {  	_ =	shalt  }
0x52: {  	_ =	shalt  }
0x53: {  	_ =	shalt  }
0x54: {  	_ =	shalt  }
0x55: {  	_ =	shalt  }
0x56: {  	_ =	shalt  }
0x57: {  	_ =	shalt  }
0x58: {  	_ =	shalt  }
0x59: {  	_ =	shalt  }
0x5a: {  	_ =	shalt  }
0x5b: {  	_ =	shalt  }
0x5c: {  	_ =	shalt  }
0x5d: {  	_ =	shalt  }
0x5e: {  	_ =	shalt  }
0x5f: {  	_ =	shalt  }
0x60: {  	_ =	shalt  }
0x61: {  	_ =	shalt  }
0x62: {  	_ =	shalt  }
0x63: {  	_ =	shalt  }
0x64: {  	_ =	shalt  }
0x65: {  	_ =	shalt  }
0x66: {  	_ =	shalt  }
0x67: {  	_ =	shalt  }
0x68: {  	_ =	shalt  }
0x69: {  	_ =	shalt  }
0x6a: {  	_ =	shalt  }
0x6b: {  	_ =	shalt  }
0x6c: {  	_ =	shalt  }
0x6d: {  	_ =	shalt  }
0x6e: {  	_ =	shalt  }
0x6f: {  	_ =	shalt  }
0x70: {  	_ =	shalt  }
0x71: {  	_ =	shalt  }
0x72: {  	_ =	shalt  }
0x73: {  	_ =	shalt  }
0x74: {  	_ =	shalt  }
0x75: {  	_ =	shalt  }
0x76: {  	_ =	shalt  }
0x77: {  	_ =	shalt  }
0x78: {  	_ =	shalt  }
0x79: {  	_ =	shalt  }
0x7a: {  	_ =	shalt  }
0x7b: {  	_ =	shalt  }
0x7c: {  	_ =	shalt  }
0x7d: {  	_ =	shalt  }
0x7e: {  	_ =	shalt  }
0x7f: {  	_ =	shalt  }
0x80: {  	_ =	shalt  }
0x81: {  	_ =	shalt  }
0x82: {  	_ =	shalt  }
0x83: {  	_ =	shalt  }
0x84: {  	_ =	shalt  }
0x85: {  	_ =	shalt  }
0x86: {  	_ =	shalt  }
0x87: {  	_ =	shalt  }
.Lfunc_end0:
.L_simem_size_0:
called_computation.1_lowered:
.L_overlay_start_0:
0x88: {  	s2 =	sld [smem:$0x3FD9]  }
0x89: {  	s3 =	sld [smem:$0x3FFE];
	_ =	sdelay $0x1  }
0x8a: {  	s1 =	srdreg.scid  }
0x8b: {  	s0 =	sand.u32 $0x1, s1  }
0x8c: {  	s14 =	sshll.u32 s0, $0xA;
	s2 =	sadd.s32 s3, s2  }
0x8d: {  	s2 =	sadd.s32 s2, s14  }
0x8e: {  	[smem:$0x3FC2] =	sst s2  }
0x8f: {  	_ = 	snop  }
0x90: {  	s2 =	sld [smem:$0x3FD0];
	_ =	sdelay $0x2  }
0x91: {  	s15 =	simm.s32 $0xA;
	s4 =	simm.s32 $0x10  }
0x92: {  	[smem:s4], [sflag:s15] =	dma.local [hbm:s2], $0x1  }
0x93: {  	_ =	swait.eq [sflag:s15], $0x1  }
0x94: {  	[sflag:s15] =	ssyncset.done $0x0  }
0x95: {  	[sflag:s15] =	ssyncadd.s32 $0xFFFFFFFF  }
0x96: {  	s16 =	sld [smem:$0x11];
	(tm) =	ssettm $0x1  }
0x97: {  	s17 =	sld [smem:$0x3FFB];
	_ =	sdelay $0x3  }
0x98: {  	_ =	strace s17  }
0x99: {  	s3 =	sld [smem:$0x3FFC];
	_ =	sdelay $0x3  }
0x9a: {  	_ =	strace s3  }
0x9b: {  	s3 =	sld [smem:$0x3FFD];
	_ =	sdelay $0x3  }
0x9c: {  	_ =	strace s3  }
0x9d: {  	_ =	strace $0x8FFFFFFF  }
0x9e: {  	s18 =	sld [smem:$0x3FDB];
	_ =	sdelay $0x1  }
0x9f: {  	s19 =	simm.s32 $_scs_section_size  }
0xa0: {  	s5 =	simm.s32 $_size__tile_overlayer_lowered;
	s6 =	simm.s32 $_tile_overlayer_lowered  }
0xa1: {  	s22 =	simm.s32 $0x1BFF;
	s21 =	sshll.u32 s6, $0x1;
	s3 =	sadd.s32 s19, s18  }
0xa2: {  	s7 =	simm.s32 $0x0;
	s20 =	sshll.u32 s5, $0x1;
	s5 =	sadd.s32 s21, s3  }
0xa3: {  	[timem:s7], [sflag:s22] =	dma.local [hbm:s5], s20  }
0xa4: {  	_ =	swait.ge [sflag:s22], s20  }
0xa5: {  	s4 =	ssub.s32 $0x0, s20;
	[sflag:s22] =	ssyncset.done $0x0  }
0xa6: {  	[sflag:s22] =	ssyncadd.s32 s4;
	_ =	sdelay $0x1  }
0xa7: {  	s23 =	simm.s32 $0x1B8B  }
0xa8: {  	_ =	swait.ge [sflag:s23], $0x1  }
0xa9: {  	[sflag:s23] =	ssyncset.done $0x0  }
0xaa: {  	s25 =	simm.s32 $0x1B8E;
	s24 =	sld [smem:$0x3FFE];
	[sflag:s23] =	ssyncadd.s32 $0xFFFFFFFF  }
0xab: {  	s26 =	simm.s32 $execute0_lowered;
	[smem:$0x3FD2] =	sst s25  }
0xac: {  	s5 =	sshll.u32 s26, $0x1;
	_ =	strace $0x80000049;
	[dreg:$0x1] =	wrdreg $0xFFFFFFFF  }
0xad: {  	s28 =	simm.s32 $_size_execute0_lowered;
	s3 =	sadd.s32 s3, s5;
	[dreg:$0x0] =	wrdreg $0x0  }
0xae: {  	s5 =	sshll.u32 s28, $0x1;
	[dreg:$0x2] =	wrdreg s3  }
0xaf: {  	[dreg:$0x3] =	wrdreg s5  }
0xb0: {  	[dreg:$0x4] =	wrdreg $0xC0  }
0xb1: {  	_ =	task [dreg:s7], $0x5FFFF  }
0xb2: {  	[dreg:$0x1] =	wrdreg $0xFFFFFFFF  }
0xb3: {  	[dreg:$0x0] =	wrdreg $0x60  }
0xb4: {  	[dreg:$0x2] =	wrdreg s24  }
0xb5: {  	[dreg:$0x3] =	wrdreg s16  }
0xb6: {  	[dreg:$0x4] =	wrdreg $0x9  }
0xb7: {  	_ =	task.clear_ibuf [dreg:s7], $0x5FFFF;
	_ =	strace $0x90000049  }
0xb8: {  	s29 =	simm.s32 $0x9;
	_ =	strace $0x8000004B  }
0xb9: {  	_ =	swait.ge [sflag:s29], $0x1  }
0xba: {  	[sflag:s29] =	ssyncadd.s32 $0xFFFFFFFF  }
0xbb: {  	_ =	strace $0x9000004B  }
0xbc: {  	_ =	sfence  }
0xbd: {  	s30 =	sld [smem:$0x0];
	_ =	sdelay $0x2  }
0xbe: {  	s31 =	sshll.u32 s1, $0xD;
	s1 =	sshrl.u32 s1, $0x2  }
0xbf: {  	s3 =	sand.u32 $0x4000, s31;
	s1 =	sadd.s32 s1, s30  }
0xc0: {  	s0 =	sor.u32 s3, s0;
	s1 =	sshll.u32 s1, $0x11  }
0xc1: {  	s0 =	sor.u32 s1, s0  }
0xc2: {  	s0 =	sadd.s32 $0x8F2B, s0  }
0xc3: {  	[sflag:s0] =	ssyncadd.remote.s32 $0x1  }
0xc4: {  	_ =	sfence.sel $0xFFFF  }
0xc5: {  	[dreg:$0x0] =	wrdreg $0xFFFFFFFF;
	(pc) =	sbr.abs _section_cstart, $3  }
0xc6: {  	[dreg:$0x1] =	wrdreg $0xFFFFFFFF  }
0xc7: {  	_ =	task.clear_ibuf [dreg:s7], $0x2FFFF;
	_ =	strace $0x9FFFFFFF  }
0xc8: {  	(tm) =	ssettm $0x7FFFFFFF  }
0xc9: {  	_ =	shalt  }
tec
execute0_lowered:
.L_overlay_start_1:
0x0: {  	(tag) =	ssettag $0x1  }
0x1: {  	s1 =	srdreg.scid  }
0x2: {  	s14 =	rddreg [dreg:$0x0];
	s0 =	stileid.u32;
	s19 =	sand.u32 $0x1, s1  }
0x3: {  	s3 =	rddreg [dreg:$0x1];
	s4 =	sshll.u32 s0, $0xB;
	s5 =	sshll.u32 s19, $0xA  }
0x4: {  	s2 =	simm.s32 $0x0;
	s1 =	rddreg [dreg:$0x2];
	s15 =	sor.u32 s5, s4  }
0x5: {  	[smem:$0x7FF] =	sst s2;
	s4 =	sshrl.u32 s15, $0x3  }
0x6: {  	_ =	strace $0x8000004A;
	s4 =	sadd.s32 s3, s4;
	s3 =	simm.s32 $0x2  }
0x7: {  	[tilespmem:s2], [sflag:$0x2] =	stream.linear.gather [hbm4b:s4+s2], $0x400, $0x38;
	[tilespmem:$0x10400] =	vst v63  }
0x8: {  	_ =	swait.ge [sflag:s3], $0x400  }
0x9: {  	s6 =	simm.s32 $0x80;
	[sflag:s3] =	ssyncset.done $0x0  }
0xa: {  	s7 =	simm.s32 $0x400;
	s5 =	sadd.s32 $0x242400, s14;
	[sflag:s3] =	ssyncadd.s32 $0xFFFFFC00  }
0xb: {  	[tilespmem:s7], [sflag:$0x1] =	stream.indirect.gather [hbm4b:s5+s6], $0x80, s2, s6, $0xb8;
	[tilespmem:$0x10400] =	vst v63  }
0xc: {  	s8 =	simm.s32 $0x4400  }
0xd: {  	[tilespmem:s8], [sflag:$0x1] =	stream.indirect.gather [hbm4b:s5+s6], $0x80, s6, s6, $0xb8;
	[tilespmem:$0x10400] =	vst v63  }
0xe: {  	s9 =	simm.s32 $0x100;
	s10 =	simm.s32 $0x8400  }
0xf: {  	[tilespmem:s10], [sflag:$0x1] =	stream.indirect.gather [hbm4b:s5+s6], $0x80, s9, s6, $0xb8;
	[tilespmem:$0x10400] =	vst v63  }
0x10: {  	s11 =	simm.s32 $0x180;
	s12 =	simm.s32 $0xC400;
	s13 =	simm.s32 $0x1  }
0x11: {  	[tilespmem:s12], [sflag:$0x1] =	stream.indirect.gather [hbm4b:s5+s6], $0x80, s11, s6, $0xb8;
	[tilespmem:$0x10400] =	vst v63  }
0x12: {  	_ =	swait.ge [sflag:s13], $0x4000  }
0x13: {  	[sflag:s13] =	ssyncset.done $0x0  }
0x14: {  	[sflag:s13] =	ssyncadd.s32 $0xFFFFC000  }
0x15: {  	_ =	swait.ge [sflag:s13], $0x4000  }
0x16: {  	[sflag:s13] =	ssyncset.done $0x0  }
0x17: {  	[sflag:s13] =	ssyncadd.s32 $0xFFFFC000  }
0x18: {  	_ =	swait.ge [sflag:s13], $0x4000  }
0x19: {  	[sflag:s13] =	ssyncset.done $0x0  }
0x1a: {  	[sflag:s13] =	ssyncadd.s32 $0xFFFFC000  }
0x1b: {  	s15 =	sshll.u32 s15, $0x4;
	_ =	swait.ge [sflag:s13], $0x4000  }
0x1c: {  	s20 =	sadd.s32 s15, s14;
	[sflag:s13] =	ssyncset.done $0x0  }
0x1d: {  	s14 =	sadd.s32 $0x2400, s20;
	[sflag:s13] =	ssyncadd.s32 $0xFFFFC000  }
0x1e: {  	[hbm4b:s14+s2] =	stream.linear.scatter [tilespmem:s7], [sflag:$0x2], $0x10000, $0x38;
	[tilespmem:$0x10400] =	vst v63  }
0x1f: {  	_ =	swait.ge [sflag:s3], $0x10000  }
0x20: {  	[sflag:s3] =	ssyncset.done $0x0  }
0x21: {  	s15 =	simm.s32 $0x200;
	[sflag:s3] =	ssyncadd.s32 $0xFFFF0000  }
0x22: {  	[tilespmem:s7], [sflag:$0x1] =	stream.indirect.gather [hbm4b:s5+s6], $0x80, s15, s6, $0xb8;
	[tilespmem:$0x10400] =	vst v63  }
0x23: {  	s16 =	simm.s32 $0x280  }
0x24: {  	[tilespmem:s8], [sflag:$0x1] =	stream.indirect.gather [hbm4b:s5+s6], $0x80, s16, s6, $0xb8;
	[tilespmem:$0x10400] =	vst v63  }
0x25: {  	s17 =	simm.s32 $0x300  }
0x26: {  	[tilespmem:s10], [sflag:$0x1] =	stream.indirect.gather [hbm4b:s5+s6], $0x80, s17, s6, $0xb8;
	[tilespmem:$0x10400] =	vst v63  }
0x27: {  	s18 =	simm.s32 $0x380  }
0x28: {  	[tilespmem:s12], [sflag:$0x1] =	stream.indirect.gather [hbm4b:s5+s6], $0x80, s18, s6, $0xb8;
	[tilespmem:$0x10400] =	vst v63  }
0x29: {  	_ =	swait.ge [sflag:s13], $0x4000  }
0x2a: {  	[sflag:s13] =	ssyncset.done $0x0  }
0x2b: {  	[sflag:s13] =	ssyncadd.s32 $0xFFFFC000  }
0x2c: {  	_ =	swait.ge [sflag:s13], $0x4000  }
0x2d: {  	[sflag:s13] =	ssyncset.done $0x0  }
0x2e: {  	s19 =	ssub.s32 $0x2, s19;
	[sflag:s13] =	ssyncadd.s32 $0xFFFFC000  }
0x2f: {  	s21 =	sshrl.u32 s19, $0x1;
	_ =	swait.ge [sflag:s13], $0x4000  }
0x30: {  	s21 =	ssub.s32 s19, s21;
	[sflag:s13] =	ssyncset.done $0x0  }
0x31: {  	s31 =	smax.u32 s21, $0x1;
	[sflag:s13] =	ssyncadd.s32 $0xFFFFC000  }
0x32: {  	p0 =	sne.s32 s31, $0x1;
	_ =	swait.ge [sflag:s13], $0x4000  }
.Ltmp0:
0x33: {  	[sflag:s13] =	ssyncset.done $0x0;
	(pc) =	sbr.rel @!p0 .LBB2_2-.Ltmp0, $4  }
0x34: {  	s19 =	sadd.s32 $0x4400, s20;
	[sflag:s13] =	ssyncadd.s32 $0xFFFFC000  }
0x35: {  	[hbm4b:s19+s2] =	stream.linear.scatter [tilespmem:s7], [sflag:$0x2], $0x10000, $0x38;
	[tilespmem:$0x10400] =	vst v63  }
0x36: {  	_ =	swait.ge [sflag:s3], $0x10000  }
0x37: {  	s20 =	sadd.s32 $0xFFFFFFFF, s31;
	[sflag:s3] =	ssyncset.done $0x0  }
.LBB2_1:
0x38: {  	p0 =	sne.s32 s20, $0x1;
	s20 =	sadd.s32 $0xFFFFFFFF, s20;
	[sflag:s3] =	ssyncadd.s32 $0xFFFF0000  }
0x39: {  	[tilespmem:s2], [sflag:$0x2] =	stream.linear.gather [hbm4b:s4+s2], $0x400, $0x38;
	[tilespmem:$0x10400] =	vst v63  }
0x3a: {  	_ =	swait.ge [sflag:s3], $0x400  }
0x3b: {  	[sflag:s3] =	ssyncset.done $0x0  }
0x3c: {  	[sflag:s3] =	ssyncadd.s32 $0xFFFFFC00  }
0x3d: {  	[tilespmem:s7], [sflag:$0x1] =	stream.indirect.gather [hbm4b:s5+s6], $0x80, s2, s6, $0xb8;
	[tilespmem:$0x10400] =	vst v63  }
0x3e: {  	_ = 	snop  }
0x3f: {  	[tilespmem:s8], [sflag:$0x1] =	stream.indirect.gather [hbm4b:s5+s6], $0x80, s6, s6, $0xb8;
	[tilespmem:$0x10400] =	vst v63  }
0x40: {  	_ = 	snop  }
0x41: {  	[tilespmem:s10], [sflag:$0x1] =	stream.indirect.gather [hbm4b:s5+s6], $0x80, s9, s6, $0xb8;
	[tilespmem:$0x10400] =	vst v63  }
0x42: {  	_ = 	snop  }
0x43: {  	[tilespmem:s12], [sflag:$0x1] =	stream.indirect.gather [hbm4b:s5+s6], $0x80, s11, s6, $0xb8;
	[tilespmem:$0x10400] =	vst v63  }
0x44: {  	_ =	swait.ge [sflag:s13], $0x4000  }
0x45: {  	[sflag:s13] =	ssyncset.done $0x0  }
0x46: {  	[sflag:s13] =	ssyncadd.s32 $0xFFFFC000  }
0x47: {  	_ =	swait.ge [sflag:s13], $0x4000  }
0x48: {  	[sflag:s13] =	ssyncset.done $0x0  }
0x49: {  	[sflag:s13] =	ssyncadd.s32 $0xFFFFC000  }
0x4a: {  	_ =	swait.ge [sflag:s13], $0x4000  }
0x4b: {  	[sflag:s13] =	ssyncset.done $0x0  }
0x4c: {  	[sflag:s13] =	ssyncadd.s32 $0xFFFFC000  }
0x4d: {  	_ =	swait.ge [sflag:s13], $0x4000  }
0x4e: {  	[sflag:s13] =	ssyncset.done $0x0  }
0x4f: {  	[sflag:s13] =	ssyncadd.s32 $0xFFFFC000  }
0x50: {  	[hbm4b:s14+s2] =	stream.linear.scatter [tilespmem:s7], [sflag:$0x2], $0x10000, $0x38;
	[tilespmem:$0x10400] =	vst v63  }
0x51: {  	_ =	swait.ge [sflag:s3], $0x10000  }
0x52: {  	[sflag:s3] =	ssyncset.done $0x0  }
0x53: {  	[sflag:s3] =	ssyncadd.s32 $0xFFFF0000  }
0x54: {  	[tilespmem:s7], [sflag:$0x1] =	stream.indirect.gather [hbm4b:s5+s6], $0x80, s15, s6, $0xb8;
	[tilespmem:$0x10400] =	vst v63  }
0x55: {  	_ = 	snop  }
0x56: {  	[tilespmem:s8], [sflag:$0x1] =	stream.indirect.gather [hbm4b:s5+s6], $0x80, s16, s6, $0xb8;
	[tilespmem:$0x10400] =	vst v63  }
0x57: {  	_ = 	snop  }
0x58: {  	[tilespmem:s10], [sflag:$0x1] =	stream.indirect.gather [hbm4b:s5+s6], $0x80, s17, s6, $0xb8;
	[tilespmem:$0x10400] =	vst v63  }
0x59: {  	_ = 	snop  }
0x5a: {  	[tilespmem:s12], [sflag:$0x1] =	stream.indirect.gather [hbm4b:s5+s6], $0x80, s18, s6, $0xb8;
	[tilespmem:$0x10400] =	vst v63  }
0x5b: {  	_ =	swait.ge [sflag:s13], $0x4000  }
0x5c: {  	[sflag:s13] =	ssyncset.done $0x0  }
0x5d: {  	[sflag:s13] =	ssyncadd.s32 $0xFFFFC000  }
0x5e: {  	_ =	swait.ge [sflag:s13], $0x4000  }
0x5f: {  	[sflag:s13] =	ssyncset.done $0x0  }
0x60: {  	[sflag:s13] =	ssyncadd.s32 $0xFFFFC000  }
0x61: {  	_ =	swait.ge [sflag:s13], $0x4000  }
0x62: {  	[sflag:s13] =	ssyncset.done $0x0  }
0x63: {  	[sflag:s13] =	ssyncadd.s32 $0xFFFFC000  }
0x64: {  	_ =	swait.ge [sflag:s13], $0x4000  }
.Ltmp1:
0x65: {  	[sflag:s13] =	ssyncset.done $0x0;
	(pc) =	sbr.rel @p0 .LBB2_1-.Ltmp1, $4  }
0x66: {  	[sflag:s13] =	ssyncadd.s32 $0xFFFFC000  }
0x67: {  	[hbm4b:s19+s2] =	stream.linear.scatter [tilespmem:s7], [sflag:$0x2], $0x10000, $0x38;
	[tilespmem:$0x10400] =	vst v63  }
0x68: {  	_ =	swait.ge [sflag:s3], $0x10000  }
0x69: {  	[sflag:s3] =	ssyncset.done $0x0  }
.LBB2_2:
0x6a: {  	[sflag:s3] =	ssyncadd.s32 $0xFFFF0000  }
0x6b: {  	_ =	sfence.sel $0x180000  }
0x6c: {  	[bflag:$0x0] =	sbarrier.arrive $0xFFFF  }
0x6d: {  	p0 =	sne.s32 s0, $0x0;
	_ =	strace $0x9000004A  }
0x6e: {  	s0 =	sadd.s32 @!p0 $0x100000, s1;
	[bflag:$0x2] =	sbarrier.arrive $0xFFFF  }
0x6f: {  	[sflag:s0] =	ssyncadd.tile.s32 @!p0 $0x1;
	_ =	shalt  }
.Lfunc_end2:
_tile_overlayer_lowered:
.L_overlay_start_2:
0x70: {  	(tag) =	ssettag $0x2  }
0x71: {  	s0 =	rddreg [dreg:$0x0];
	s2 =	stileid.u32  }
0x72: {  	s1 =	rddreg [dreg:$0x1];
	p0 =	sne.s32 s2, $0x0  }
0x73: {  	s3 =	rddreg [dreg:$0x2];
	[bflag:$0x3] =	sbarrier.arrive $0xFFFF;
	s2 =	simm.s32 @!p0 $0x1C02  }
0x74: {  	[timem:s3], [sflag:s2] =	dma.local @!p0 [hbm:s0], s1  }
0x75: {  	s0 =	simm.s32 @!p0 $0x2  }
0x76: {  	_ =	swait.ge @!p0 [sflag:s0], s1  }
0x77: {  	s1 =	ssub.s32 @!p0 $0x0, s1;
	[sflag:s0] =	ssyncset.done @!p0 $0x0  }
0x78: {  	[sflag:s0] =	ssyncadd.s32 @!p0 s1  }
0x79: {  	[bflag:$0x3] =	sbarrier.arrive $0xFFFF  }
0x7a: {  	_ =	shalt  }

// kernel: kernel.8.cloned.1.call-start
scs
__scs_entry_jumppad:
0x0: {  	(pc) =	sbr.rel $0x88, $3  }
0x1: {  	(tag) =	ssettag $0x0;
	lr =	simm.s32 $0x1  }
0x2: {  	[smem:$0x3F9B] =	sst lr;
	_ =	strace $0xD0000000  }
0x3: {  	_ = 	snop  }
0x4: {  	_ = 	snop  }
0x5: {  	_ = 	snop  }
0x6: {  	_ = 	snop  }
0x7: {  	_ = 	snop  }
__scs_overlays_trampoline_lowered:
0x8: {  	[smem:$0x3FAA] =	sst s0  }
0x9: {  	[smem:$0x3FAB] =	sst s1  }
0xa: {  	[smem:$0x3FAC] =	sst s2  }
0xb: {  	[smem:$0x3FAD] =	sst s3  }
0xc: {  	[smem:$0x3FAE] =	sst s4  }
0xd: {  	[smem:$0x3FAF] =	sst s5  }
0xe: {  	[smem:$0x3FB0] =	sst s6  }
0xf: {  	[smem:$0x3FB1] =	sst s7  }
0x10: {  	[smem:$0x3FB2] =	sst s8  }
0x11: {  	[smem:$0x3FB3] =	sst s9;
	s0 =	simm.s32 @!p0 $0x0  }
0x12: {  	s1 =	sld [smem:$0x3F99];
	s0 =	simm.s32 @p0 $0x1  }
0x13: {  	[smem:$0x3FB4] =	sst s0;
	s0 =	simm.s32 @!p1 $0x0  }
0x14: {  	s2 =	sld [smem:$0x3F98];
	s0 =	simm.s32 @p1 $0x1  }
0x15: {  	[smem:$0x3FB5] =	sst s0;
	s0 =	simm.s32 @!p2 $0x0  }
0x16: {  	s3 =	sld [smem:$0x3FDB];
	s0 =	simm.s32 @p2 $0x1  }
0x17: {  	s4 =	simm.s32 $0x1BF5;
	[smem:$0x3FB7] =	sst s0  }
0x18: {  	s0 =	sld [smem:$0x3F9A];
	_ =	swait.ge [sflag:s4], $0x0  }
0x19: {  	s7 =	sld [smem:$0x3F9B]  }
0x1a: {  	s8 =	sadd.s32 $0xFFFFE003, lr  }
0x1b: {  	s9 =	sadd.s32 $0xFFFFFEF7, lr;
	s5 =	simm.s32 $0xFFFFFFFF;
	p2 =	slt.u32 s8, $0xFFFFF086  }
0x1c: {  	p1 =	slt.u32 s9, $0xF7A;
	s5 =	simm.s32 @!p2 $0x0  }
0x1d: {  	s5 =	simm.s32 @p1 $0x1;
	p0 =	seq.s32 s7, s2  }
0x1e: {  	s7 =	smul.u32 @!p0 $0xF7A, s2;
	p2 =	seq.s32 @!p0 s5, $0x0  }
0x1f: {  	s9 =	smul.u32 $0xF7A, s1;
	s8 =	simm.s32 @!p0 $0x1BF5;
	p2 =	por !p2, p0  }
0x20: {  	[sflag:s8] =	ssyncset.s32 @!p0 $0xFFFFF086;
	s6 =	sadd.s32 @!p0 s3, s7;
	s7 =	simm.s32 @!p0 $0x108  }
0x21: {  	s3 =	sadd.s32 s3, s9;
	s6 =	sadd.s32 @!p0 $0x88, s6;
	s7 =	simm.s32 @p2 $0x1082  }
0x22: {  	[simem:s7], [sflag:s8] =	dma.local @!p0 [hbm:s6], $0xF7A  }
0x23: {  	s9 =	sor.u32 $0xD0000000, s2;
	s6 =	simm.s32 $0x108;
	_ =	swait.ge @!p0 [sflag:s8], $0x0  }
0x24: {  	s3 =	sadd.s32 $0x88, s3;
	s6 =	simm.s32 @!p1 $0x1082;
	[sflag:s4] =	ssyncset.s32 $0xFFFFF086  }
0x25: {  	[simem:s6], [sflag:s4] =	dma.local [hbm:s3], $0xF7A  }
0x26: {  	[smem:$0x3F9B] =	sst s1;
	(tag) =	ssettag s2;
	_ =	strace s9  }
0x27: {  	s1 =	sld [smem:$0x3FAB]  }
0x28: {  	s2 =	sld [smem:$0x3FAC]  }
0x29: {  	s4 =	sld [smem:$0x3FAE]  }
0x2a: {  	p0 =	seq.s32 s5, $0x0;
	s5 =	sld [smem:$0x3FAF]  }
0x2b: {  	s6 =	sld [smem:$0x3FB0]  }
0x2c: {  	s7 =	sld [smem:$0x3FB1]  }
0x2d: {  	s3 =	simm.s32 $0x108;
	s8 =	sld [smem:$0x3FB2]  }
0x2e: {  	s3 =	simm.s32 @!p0 $0x1082;
	s9 =	sld [smem:$0x3FB3]  }
0x2f: {  	lr =	sadd.s32 s0, s3;
	s0 =	sld [smem:$0x3FAA]  }
0x30: {  	s3 =	sld [smem:$0x3FAD]  }
0x31: {  	[smem:$0x3FB6] =	sst s10  }
0x32: {  	s10 =	sld [smem:$0x3FB4];
	_ =	sdelay $0x3  }
0x33: {  	p0 =	seq.s32 s10, $0x1;
	s10 =	sld [smem:$0x3FB6];
	_ =	sdelay $0x3  }
0x34: {  	[smem:$0x3FB6] =	sst s10  }
0x35: {  	s10 =	sld [smem:$0x3FB5];
	_ =	sdelay $0x3  }
0x36: {  	p1 =	seq.s32 s10, $0x1;
	s10 =	sld [smem:$0x3FB6];
	_ =	sdelay $0x3  }
0x37: {  	[smem:$0x3FB6] =	sst s10  }
0x38: {  	s10 =	sld [smem:$0x3FB7]  }
0x39: {  	_ = 	snop;
	(pc) =	sbr.ind lr, $3  }
0x3a: {  	_ = 	snop  }
0x3b: {  	_ = 	snop  }
0x3c: {  	p2 =	seq.s32 s10, $0x1;
	s10 =	sld [smem:$0x3FB6]  }
0x3d: {  	_ =	shalt  }
0x3e: {  	_ =	shalt  }
0x3f: {  	_ =	shalt  }
0x40: {  	_ =	shalt  }
0x41: {  	_ =	shalt  }
0x42: {  	_ =	shalt  }
0x43: {  	_ =	shalt  }
0x44: {  	_ =	shalt  }
0x45: {  	_ =	shalt  }
0x46: {  	_ =	shalt  }
0x47: {  	_ =	shalt  }
0x48: {  	_ =	shalt  }
0x49: {  	_ =	shalt  }
0x4a: {  	_ =	shalt  }
0x4b: {  	_ =	shalt  }
0x4c: {  	_ =	shalt  }
0x4d: {  	_ =	shalt  }
0x4e: {  	_ =	shalt  }
0x4f: {  	_ =	shalt  }
0x50: {  	_ =	shalt  }
0x51: {  	_ =	shalt  }
0x52: {  	_ =	shalt  }
0x53: {  	_ =	shalt  }
0x54: {  	_ =	shalt  }
0x55: {  	_ =	shalt  }
0x56: {  	_ =	shalt  }
0x57: {  	_ =	shalt  }
0x58: {  	_ =	shalt  }
0x59: {  	_ =	shalt  }
0x5a: {  	_ =	shalt  }
0x5b: {  	_ =	shalt  }
0x5c: {  	_ =	shalt  }
0x5d: {  	_ =	shalt  }
0x5e: {  	_ =	shalt  }
0x5f: {  	_ =	shalt  }
0x60: {  	_ =	shalt  }
0x61: {  	_ =	shalt  }
0x62: {  	_ =	shalt  }
0x63: {  	_ =	shalt  }
0x64: {  	_ =	shalt  }
0x65: {  	_ =	shalt  }
0x66: {  	_ =	shalt  }
0x67: {  	_ =	shalt  }
0x68: {  	_ =	shalt  }
0x69: {  	_ =	shalt  }
0x6a: {  	_ =	shalt  }
0x6b: {  	_ =	shalt  }
0x6c: {  	_ =	shalt  }
0x6d: {  	_ =	shalt  }
0x6e: {  	_ =	shalt  }
0x6f: {  	_ =	shalt  }
0x70: {  	_ =	shalt  }
0x71: {  	_ =	shalt  }
0x72: {  	_ =	shalt  }
0x73: {  	_ =	shalt  }
0x74: {  	_ =	shalt  }
0x75: {  	_ =	shalt  }
0x76: {  	_ =	shalt  }
0x77: {  	_ =	shalt  }
0x78: {  	_ =	shalt  }
0x79: {  	_ =	shalt  }
0x7a: {  	_ =	shalt  }
0x7b: {  	_ =	shalt  }
0x7c: {  	_ =	shalt  }
0x7d: {  	_ =	shalt  }
0x7e: {  	_ =	shalt  }
0x7f: {  	_ =	shalt  }
0x80: {  	_ =	shalt  }
0x81: {  	_ =	shalt  }
0x82: {  	_ =	shalt  }
0x83: {  	_ =	shalt  }
0x84: {  	_ =	shalt  }
0x85: {  	_ =	shalt  }
0x86: {  	_ =	shalt  }
0x87: {  	_ =	shalt  }
.Lfunc_end0:
.L_simem_size_0:
called_computation_lowered:
.L_overlay_start_0:
0x88: {  	s2 =	sld [smem:$0x3FD9]  }
0x89: {  	s3 =	sld [smem:$0x3FFE];
	_ =	sdelay $0x1  }
0x8a: {  	s1 =	srdreg.scid  }
0x8b: {  	s0 =	sand.u32 $0x1, s1  }
0x8c: {  	s16 =	sshll.u32 s0, $0xA;
	s2 =	sadd.s32 s3, s2  }
0x8d: {  	s2 =	sadd.s32 s2, s16  }
0x8e: {  	[smem:$0x3FC2] =	sst s2  }
0x8f: {  	_ = 	snop  }
0x90: {  	(tm) =	ssettm $0x1  }
0x91: {  	s17 =	sld [smem:$0x3FFB];
	_ =	sdelay $0x3  }
0x92: {  	_ =	strace s17  }
0x93: {  	s2 =	sld [smem:$0x3FFC];
	_ =	sdelay $0x3  }
0x94: {  	_ =	strace s2  }
0x95: {  	s2 =	sld [smem:$0x3FFD];
	_ =	sdelay $0x3  }
0x96: {  	_ =	strace s2  }
0x97: {  	_ =	strace $0x8FFFFFFF  }
0x98: {  	s18 =	sld [smem:$0x3FDB];
	_ =	sdelay $0x1  }
0x99: {  	s19 =	simm.s32 $_scs_section_size  }
0x9a: {  	s4 =	simm.s32 $_size__tile_overlayer_lowered;
	s5 =	simm.s32 $_tile_overlayer_lowered  }
0x9b: {  	s22 =	simm.s32 $0x1BFF;
	s21 =	sshll.u32 s5, $0x1;
	s2 =	sadd.s32 s19, s18  }
0x9c: {  	s6 =	simm.s32 $0x0;
	s20 =	sshll.u32 s4, $0x1;
	s4 =	sadd.s32 s21, s2  }
0x9d: {  	[timem:s6], [sflag:s22] =	dma.local [hbm:s4], s20  }
0x9e: {  	_ =	swait.ge [sflag:s22], s20  }
0x9f: {  	s3 =	ssub.s32 $0x0, s20;
	[sflag:s22] =	ssyncset.done $0x0  }
0xa0: {  	[sflag:s22] =	ssyncadd.s32 s3;
	_ =	sdelay $0x1  }
0xa1: {  	s23 =	simm.s32 $0x1B8B  }
0xa2: {  	_ =	swait.ge [sflag:s23], $0x1  }
0xa3: {  	[sflag:s23] =	ssyncset.done $0x0  }
0xa4: {  	s25 =	simm.s32 $0x1B8E;
	s24 =	sld [smem:$0x3FFE];
	[sflag:s23] =	ssyncadd.s32 $0xFFFFFFFF  }
0xa5: {  	s26 =	simm.s32 $execute0_lowered;
	[smem:$0x3FD2] =	sst s25  }
0xa6: {  	s4 =	sshll.u32 s26, $0x1;
	_ =	strace $0x80000046;
	[dreg:$0x1] =	wrdreg $0xFFFFFFFF  }
0xa7: {  	s28 =	simm.s32 $_size_execute0_lowered;
	s2 =	sadd.s32 s2, s4;
	[dreg:$0x0] =	wrdreg $0x0  }
0xa8: {  	s4 =	sshll.u32 s28, $0x1;
	[dreg:$0x2] =	wrdreg s2  }
0xa9: {  	[dreg:$0x3] =	wrdreg s4  }
0xaa: {  	[dreg:$0x4] =	wrdreg $0xC0  }
0xab: {  	_ =	task [dreg:s6], $0x5FFFF  }
0xac: {  	[dreg:$0x1] =	wrdreg $0xFFFFFFFF  }
0xad: {  	[dreg:$0x0] =	wrdreg $0x60  }
0xae: {  	[dreg:$0x2] =	wrdreg s24  }
0xaf: {  	[dreg:$0x3] =	wrdreg $0x9  }
0xb0: {  	_ =	task.clear_ibuf [dreg:s6], $0x4FFFF;
	_ =	strace $0x90000046  }
0xb1: {  	s29 =	simm.s32 $0x9;
	_ =	strace $0x80000048  }
0xb2: {  	_ =	swait.ge [sflag:s29], $0x1  }
0xb3: {  	[sflag:s29] =	ssyncadd.s32 $0xFFFFFFFF  }
0xb4: {  	_ =	strace $0x90000048  }
0xb5: {  	_ =	sfence  }
0xb6: {  	s30 =	sld [smem:$0x0];
	_ =	sdelay $0x2  }
0xb7: {  	s31 =	sshll.u32 s1, $0xD;
	s1 =	sshrl.u32 s1, $0x2  }
0xb8: {  	s3 =	sand.u32 $0x4000, s31;
	s1 =	sadd.s32 s1, s30  }
0xb9: {  	s0 =	sor.u32 s3, s0;
	s1 =	sshll.u32 s1, $0x11  }
0xba: {  	s0 =	sor.u32 s1, s0  }
0xbb: {  	s0 =	sadd.s32 $0x8F2B, s0  }
0xbc: {  	[sflag:s0] =	ssyncadd.remote.s32 $0x1  }
0xbd: {  	_ =	sfence.sel $0xFFFF  }
0xbe: {  	[dreg:$0x0] =	wrdreg $0xFFFFFFFF;
	(pc) =	sbr.abs _section_cstart, $3  }
0xbf: {  	[dreg:$0x1] =	wrdreg $0xFFFFFFFF  }
0xc0: {  	_ =	task.clear_ibuf [dreg:s6], $0x2FFFF;
	_ =	strace $0x9FFFFFFF  }
0xc1: {  	(tm) =	ssettm $0x7FFFFFFF  }
tec
execute0_lowered:
.L_overlay_start_1:
0x0: {  	(tag) =	ssettag $0x1  }
0x1: {  	s6 =	rddreg [dreg:$0x0]  }
0x2: {  	s0 =	rddreg [dreg:$0x1];
	s2 =	simm.s32 $0x0;
	s3 =	srdreg.scid  }
0x3: {  	s1 =	stileid.u32;
	s10 =	simm.s32 $0x400;
	s11 =	simm.s32 $0x1  }
0x4: {  	s12 =	simm.s32 $0x4000;
	s13 =	simm.s32 $0x8000;
	s14 =	simm.s32 $0x8400  }
0x5: {  	s15 =	simm.s32 $0x2;
	s16 =	simm.s32 $0x0;
	[smem:$0x7FF] =	sst s2  }
0x6: {  	s4 =	sand.u32 $0x1, s3;
	s5 =	sshll.u32 s1, $0x6;
	s3 =	sadd.s32 $0x2400, s6  }
0x7: {  	_ =	strace $0x80000047;
	s7 =	sshll.u32 s4, $0x5;
	s8 =	ssub.s32 $0x2, s4  }
0x8: {  	s4 =	sor.u32 s7, s5;
	s5 =	sadd.s32 $0x202400, s6;
	s31 =	sshrl.u32 s8, $0x1  }
0x9: {  	v0 =	vimm.f32 $+Inf;
	s6 =	sadd.s32 $0x222400, s6;
	s9 =	sshll.u32 s4, $0xB;
	s8 =	ssub.s32 s8, s31  }
0xa: {  	v1 =	vimm.s32 $0xFFFFFFFF;
	v2 =	vimm.s32 $0x0;
	v3 =	vlaneseq.u32;
	s7 =	sadd.s32 s3, s9;
	s8 =	smax.u32 s8, $0x1;
	s9 =	simm.s32 $0x80  }
.LBB2_1:
0xb: {  	[tilespmem:s2], [sflag:$0x1] =	stream.strided.gather [hbm4b:s7+s9], $0x4000, s10, s9, $0x38;
	[tilespmem:$0x8800] =	vst v63  }
0xc: {  	s19 =	simm.s32 $0x0  }
.LBB2_2:
0xd: {  	s17 =	sshll.u32 s19, $0x1  }
0xe: {  	s31 =	sshll.u32 s19, $0x8;
	s20 =	sadd.s32 s4, s17  }
0xf: {  	s17 =	sand.u32 $0x300, s31;
	s18 =	sshrl.u32 s20, $0x3  }
0x10: {  	s17 =	sor.u32 $0x80, s17;
	s21 =	sshll.u32 s18, $0x11  }
0x11: {  	_ =	swait.ge [sflag:s11], $0x4000;
	s21 =	sor.u32 s17, s21  }
0x12: {  	[sflag:s11] =	ssyncset.done $0x0;
	s21 =	sshrl.u32 s21, $0x3  }
0x13: {  	[sflag:s11] =	ssyncadd.s32 $0xFFFFC000;
	s21 =	sadd.s32 s3, s21  }
0x14: {  	[tilespmem:s12], [sflag:$0x1] =	stream.strided.gather [hbm4b:s21+s9], $0x4000, s10, s9, $0x38;
	[tilespmem:$0x8800] =	vst v63  }
0x15: {  	s21 =	simm.s32 $0x0  }
.LBB2_3:
0x16: {  	p0 =	sne.s32 s21, $0xFC0  }
.Ltmp0:
0x17: {  	_ = 	snop;
	(pc) =	sbr.rel @p0 .LBB2_3-.Ltmp0, $4  }
0x18: {  	_ = 	snop  }
0x19: {  	s22 =	sshra.s32 s21, $0x2  }
0x1a: {  	[tilespmem:s22+$0x8000] =	vst v0  }
0x1b: {  	s21 =	sadd.s32 $0x40, s21;
	[tilespmem:s22+$0x8400] =	vst v1  }
0x1c: {  	s21 =	simm.s32 $0x40  }
0x1d: {  	v5 =	vld [tilespmem:s21+$0xFFFFFFC0]  }
0x1e: {  	v6 =	vld [tilespmem:s21+$0xFFFFFFD0]  }
0x1f: {  	v11 =	vld [tilespmem:s21+$0xFFFFFFE0]  }
0x20: {  	v16 =	vld [tilespmem:s21+$0xFFFFFFF0]  }
0x21: {  	v19 =	vld [tilespmem:s21+$0x0]  }
0x22: {  	v15 =	vld [tilespmem:s21+$0x10]  }
0x23: {  	v4 =	vld [tilespmem:s21+$0x20]  }
0x24: {  	v17 =	vld [tilespmem:s21+$0x30];
	vm3 =	vlt.f32 v5, $1.000000000e+09  }
0x25: {  	vm2 =	vlt.f32 v6, $1.000000000e+09;
	v8 =	vsel vm3, $0x1, v2  }
0x26: {  	v7 =	vimm.s32 $0x0;
	v10 =	vsel vm2, $0x1, v2;
	(xrf0) =	vadd.scan.msk.s32 $0xffff, v8  }
0x27: {  	vm0 =	vlt.f32 v11, $1.000000000e+09;
	vm7 =	vlt.f32 v16, $1.000000000e+09;
	vm6 =	vlt.f32 v19, $1.000000000e+09;
	(xrf0) =	vadd.scan.msk.s32 $0xffff, v10  }
0x28: {  	vm4 =	vlt.f32 v15, $1.000000000e+09;
	vm5 =	vlt.f32 v4, $1.000000000e+09;
	v9 =	vmpcnt.ones.xlane vm3  }
0x29: {  	vm1 =	vlt.f32 v17, $1.000000000e+09;
	v12 =	vmpcnt.ones.xlane vm2;
	v13 =	vmpcnt.ones.xlane vm6  }
0x2a: {  	v14 =	vmpcnt.ones.xlane vm4;
	v8 =	vadd.s32 v7, v9;
	v9 =	vmpcnt.ones.xlane vm0  }
0x2b: {  	v18 =	vsel vm0, $0x1, v2;
	v10 =	vadd.s32 v8, v12;
	v12 =	vmpcnt.ones.xlane vm7  }
0x2c: {  	v20 =	vsel vm7, $0x1, v2;
	v22 =	vsel vm6, $0x1, v2;
	(xrf0) =	vadd.scan.msk.s32 $0xffff, v18;
	v9 =	vadd.s32 v10, v9;
	v21, _, _ =	vpop (xrf0)  }
0x2d: {  	v24 =	vsel vm4, $0x1, v2;
	v18 =	vmpcnt.ones.xlane vm5;
	v12 =	vadd.s32 v9, v12;
	(xrf0) =	vadd.scan.msk.s32 $0xffff, v20;
	v23, _, _ =	vpop (xrf0)  }
0x2e: {  	v13 =	vadd.s32 v12, v13;
	v7 =	vadd.s32 v21, v7;
	v8 =	vadd.s32 v23, v8  }
0x2f: {  	v14 =	vadd.s32 v13, v14;
	(xrf0) =	vadd.scan.msk.s32 $0xffff, v22;
	v7 =	vadd.s32 $0xFFFFFFFF, v7;
	v8 =	vadd.s32 $0xFFFFFFFF, v8  }
0x30: {  	v20 =	vmpcnt.ones.xlane vm1;
	v22 =	vsel vm5, $0x1, v2;
	vm8 =	vlt.s32 v7, $0x3FF  }
0x31: {  	v18 =	vadd.s32 v14, v18;
	(xrf0) =	vadd.scan.msk.s32 $0xffff, v24;
	vm9 =	vlt.s32 v8, $0x3FF;
	v7 =	vnsel vm8, $0x3FF, v7  }
0x32: {  	s22 =	simm.s32 $0x70;
	s30 =	simm.s32 $0x40;
	v21 =	vsel vm1, $0x1, v2;
	v24 =	vadd.s32 v18, v20;
	(xrf0) =	vadd.scan.msk.s32 $0xffff, v22;
	v20 =	vnsel vm9, $0x3FF, v8;
	v8, _, _ =	vpop (xrf0)  }
0x33: {  	v28 =	vor.u32 s22, v3;
	v29 =	vor.u32 s30, v3;
	(xrf0) =	vadd.scan.msk.s32 $0xffff, v21;
	v8 =	vadd.s32 v8, v10;
	v10, _, _ =	vpop (xrf0)  }
0x34: {  	s28 =	simm.s32 $0x0;
	s29 =	simm.s32 $0x10;
	vm11 =	vmmov vm7;
	vm10 =	vmmov vm6;
	v9 =	vadd.s32 v10, v9  }
0x35: {  	v22 =	vor.u32 s29, v3;
	v21 =	vor.u32 s28, v3;
	v8 =	vadd.s32 $0xFFFFFFFF, v8;
	v10, _, _ =	vpop (xrf0)  }
0x36: {  	s23 =	simm.s32 $0x20;
	s21 =	simm.s32 $0xC0;
	vm6 =	vlt.s32 v8, $0x3FF;
	v23 =	vadd.s32 $0xFFFFFFFF, v9;
	v10 =	vadd.s32 v10, v12;
	[tilespmem:v7+s13+$0x0] =	vst.idx.msk vm3, v5  }
0x37: {  	vm7 =	vlt.s32 v23, $0x3FF;
	v26 =	vnsel vm6, $0x3FF, v8;
	[tilespmem:v7+s14+$0x0] =	vst.idx.msk vm3, v21;
	v8 =	vld [tilespmem:s21+$0xFFFFFFE0];
	v21 =	vor.u32 s23, v3;
	v9, _, _ =	vpop (xrf0)  }
0x38: {  	v7 =	vld [tilespmem:s21+$0x0];
	v23 =	vnsel vm7, $0x3FF, v23;
	vm7 =	vmmov vm4;
	v9 =	vadd.s32 v9, v13;
	v12, _, _ =	vpop (xrf0)  }
0x39: {  	[tilespmem:v20+s13+$0x0] =	vst.idx.msk vm2, v6;
	v6 =	vld [tilespmem:s21+$0x10];
	v13 =	vadd.s32 $0xFFFFFFFF, v10;
	v25 =	vadd.s32 $0xFFFFFFFF, v9;
	v9 =	vadd.s32 v12, v14;
	v10, _, _ =	vpop (xrf0)  }
0x3a: {  	s31 =	simm.s32 $0x50;
	vm8 =	vlt.s32 v13, $0x3FF;
	vm9 =	vlt.s32 v25, $0x3FF;
	v5 =	vadd.s32 v10, v18;
	v10 =	vld [tilespmem:s21+$0xFFFFFFC0]  }
0x3b: {  	v12 =	vadd.s32 $0xFFFFFFFF, v9;
	v9 =	vld [tilespmem:s21+$0xFFFFFFD0];
	v27 =	vnsel vm8, $0x3FF, v13;
	v18 =	vor.u32 s31, v3  }
0x3c: {  	s24 =	simm.s32 $0x30;
	vm6 =	vlt.s32 v12, $0x3FF;
	v5 =	vadd.s32 $0xFFFFFFFF, v5;
	v14 =	vnsel vm9, $0x3FF, v25  }
0x3d: {  	[tilespmem:v20+s14+$0x0] =	vst.idx.msk vm2, v22;
	v25 =	vor.u32 s24, v3;
	vm8 =	vlt.f32 v7, $1.000000000e+09;
	vm3 =	vlt.s32 v5, $0x3FF  }
0x3e: {  	[tilespmem:v26+s13+$0x0] =	vst.idx.msk vm0, v11;
	vm4 =	vlt.f32 v6, $1.000000000e+09;
	v13 =	vnsel vm6, $0x3FF, v12;
	v20 =	vnsel vm3, $0x3FF, v5;
	v5 =	vld [tilespmem:s21+$0xFFFFFFF0]  }
0x3f: {  	vm6 =	vmmov vm5;
	[tilespmem:v26+s14+$0x0] =	vst.idx.msk vm0, v21;
	vm0 =	vlt.f32 v8, $1.000000000e+09;
	vm3 =	vlt.f32 v10, $1.000000000e+09  }
0x40: {  	v12 =	vld [tilespmem:s21+$0x20];
	[tilespmem:v23+s13+$0x0] =	vst.idx.msk vm11, v16;
	v33 =	vsel vm8, $0x1, v2;
	vm2 =	vlt.f32 v9, $1.000000000e+09;
	v22 =	vsel vm3, $0x1, v2  }
0x41: {  	[tilespmem:v23+s14+$0x0] =	vst.idx.msk vm11, v25;
	v30 =	vmpcnt.ones.xlane vm3;
	v21 =	vsel vm2, $0x1, v2;
	(xrf0) =	vadd.scan.msk.s32 $0xffff, v22  }
0x42: {  	v11 =	vld [tilespmem:s21+$0x30];
	v63 =	vsel vm4, $0x1, v2;
	[tilespmem:v27+s13+$0x0] =	vst.idx.msk vm10, v19;
	v26 =	vmpcnt.ones.xlane vm2;
	(xrf0) =	vadd.scan.msk.s32 $0xffff, v21  }
0x43: {  	v31 =	vmpcnt.ones.xlane vm0;
	[tilespmem:v27+s14+$0x0] =	vst.idx.msk vm10, v29;
	v30 =	vadd.s32 v24, v30;
	vm9 =	vlt.f32 v5, $1.000000000e+09  }
0x44: {  	v25 =	vsel vm0, $0x1, v2;
	[tilespmem:v14+s13+$0x0] =	vst.idx.msk vm7, v15;
	v22 =	vadd.s32 v30, v26;
	v26 =	vmpcnt.ones.xlane vm9  }
0x45: {  	vm5 =	vlt.f32 v12, $1.000000000e+09;
	[tilespmem:v20+s13+$0x0] =	vst.idx.msk vm1, v17;
	v17 =	vmpcnt.ones.xlane vm8;
	v21 =	vadd.s32 v22, v31  }
0x46: {  	v61 =	vmpcnt.ones.xlane vm5;
	[tilespmem:v20+s14+$0x0] =	vst.idx.msk vm1, v28;
	v20 =	vadd.s32 v21, v26;
	v26 =	vmpcnt.ones.xlane vm4  }
0x47: {  	vm1 =	vlt.f32 v11, $1.000000000e+09;
	v32 =	vsel vm9, $0x1, v2;
	(xrf0) =	vadd.scan.msk.s32 $0xffff, v25;
	v16 =	vadd.s32 v20, v17;
	v62, _, _ =	vpop (xrf0)  }
0x48: {  	v34 =	vsel vm5, $0x1, v2;
	(xrf0) =	vadd.scan.msk.s32 $0xffff, v32;
	v17 =	vadd.s32 v16, v26;
	v26 =	vmpcnt.ones.xlane vm1;
	v25, _, _ =	vpop (xrf0)  }
0x49: {  	(xrf0) =	vadd.scan.msk.s32 $0xffff, v33;
	v23 =	vadd.s32 v17, v61;
	v24 =	vadd.s32 v62, v24;
	v30 =	vadd.s32 v25, v30  }
0x4a: {  	(xrf0) =	vadd.scan.msk.s32 $0xffff, v63;
	v19 =	vadd.s32 v23, v26;
	v26 =	vadd.s32 $0xFFFFFFFF, v24;
	v24 =	vadd.s32 $0xFFFFFFFF, v30  }
0x4b: {  	s23 =	simm.s32 $0x8;
	(xrf0) =	vadd.scan.msk.s32 $0xffff, v34;
	v25 =	vsel vm1, $0x1, v2;
	vm11 =	vlt.s32 v26, $0x3FF;
	vm10 =	vlt.s32 v24, $0x3FF  }
.LBB2_5:
0x4c: {  	s23 =	sadd.s32 $0x8, s23;
	v26 =	vnsel vm11, $0x3FF, v26;
	v24 =	vnsel vm10, $0x3FF, v24;
	(xrf0) =	vadd.scan.msk.s32 $0xffff, v25;
	[tilespmem:v14+s14+$0x0] =	vst.idx.msk vm7, v18;
	s24 =	sadd.s32 $0xFFFFFFF0, s22;
	s22 =	sadd.s32 $0x80, s22;
	v15 =	vmovc v19  }
0x4d: {  	vm11 =	vmmov vm9;
	p0 =	slt.u32 s23, $0x3F8;
	s25 =	sadd.s32 $0xFFFFFF90, s22;
	v14, _, _ =	vpop (xrf0);
	[tilespmem:v13+s13+$0x0] =	vst.idx.msk vm6, v4;
	v18 =	vor.u32 s24, v3;
	v4 =	vmov v12  }
0x4e: {  	vm10 =	vmmov vm8;
	s24 =	sadd.s32 $0xFFFFFFA0, s22;
	v12 =	vor.u32 s25, v3;
	v14 =	vadd.s32 v14, v22;
	v22, _, _ =	vpop (xrf0);
	[tilespmem:v13+s14+$0x0] =	vst.idx.msk vm6, v18  }
0x4f: {  	v13 =	vor.u32 s24, v3;
	v14 =	vadd.s32 $0xFFFFFFFF, v14;
	v18 =	vadd.s32 v22, v21;
	v21, _, _ =	vpop (xrf0)  }
0x50: {  	vm6 =	vlt.s32 v14, $0x3FF;
	v18 =	vadd.s32 $0xFFFFFFFF, v18;
	v20 =	vadd.s32 v21, v20;
	v21, _, _ =	vpop (xrf0)  }
0x51: {  	[tilespmem:v26+s13+$0x0] =	vst.idx.msk vm3, v10;
	vm7 =	vlt.s32 v18, $0x3FF;
	v20 =	vadd.s32 $0xFFFFFFFF, v20;
	v10 =	vadd.s32 v21, v16;
	v16, _, _ =	vpop (xrf0)  }
0x52: {  	[tilespmem:v26+s14+$0x0] =	vst.idx.msk vm3, v12;
	vm3 =	vlt.s32 v20, $0x3FF;
	v12 =	vadd.s32 $0xFFFFFFFF, v10;
	v10 =	vadd.s32 v16, v17;
	v16, _, _ =	vpop (xrf0)  }
0x53: {  	s21 =	sadd.s32 $0x80, s21;
	[tilespmem:v24+s13+$0x0] =	vst.idx.msk vm2, v9;
	vm8 =	vlt.s32 v12, $0x3FF;
	v17 =	vadd.s32 $0xFFFFFFFF, v10;
	v9 =	vadd.s32 v16, v23  }
0x54: {  	v16 =	vnsel vm6, $0x3FF, v14;
	v10 =	vld [tilespmem:s21+$0xFFFFFFC0];
	[tilespmem:v24+s14+$0x0] =	vst.idx.msk vm2, v13;
	vm2 =	vlt.s32 v17, $0x3FF;
	v21 =	vadd.s32 $0xFFFFFFFF, v9  }
0x55: {  	v23 =	vnsel vm7, $0x3FF, v18;
	v27 =	vnsel vm3, $0x3FF, v20;
	v9 =	vld [tilespmem:s21+$0xFFFFFFD0];
	vm3 =	vlt.s32 v21, $0x3FF  }
0x56: {  	v14 =	vnsel vm8, $0x3FF, v12;
	v13 =	vnsel vm2, $0x3FF, v17;
	v20 =	vld [tilespmem:s21+$0xFFFFFFE0];
	v17 =	vnsel vm3, $0x3FF, v21  }
0x57: {  	s24 =	sadd.s32 $0xFFFFFFB0, s22;
	s25 =	sadd.s32 $0xFFFFFFC0, s22;
	vm7 =	vmmov vm4;
	vm6 =	vmmov vm5;
	v24 =	vld [tilespmem:s21+$0xFFFFFFF0]  }
0x58: {  	v28 =	vor.u32 s22, v3;
	v26 =	vor.u32 s25, v3;
	s25 =	sadd.s32 $0xFFFFFFE0, s22;
	v21 =	vor.u32 s24, v3;
	s24 =	sadd.s32 $0xFFFFFFD0, s22;
	v25 =	vld [tilespmem:s21+$0x0]  }
0x59: {  	v18 =	vor.u32 s25, v3;
	v30 =	vor.u32 s24, v3;
	vm3 =	vlt.f32 v10, $1.000000000e+09;
	v29 =	vld [tilespmem:s21+$0x10];
	[tilespmem:v16+s13+$0x0] =	vst.idx.msk vm0, v8  }
0x5a: {  	v32 =	vsel vm3, $0x1, v2;
	v22 =	vmpcnt.ones.xlane vm3;
	vm2 =	vlt.f32 v9, $1.000000000e+09;
	v12 =	vld [tilespmem:s21+$0x20];
	[tilespmem:v16+s14+$0x0] =	vst.idx.msk vm0, v21  }
0x5b: {  	v16 =	vsel vm2, $0x1, v2;
	v21 =	vmpcnt.ones.xlane vm2;
	vm0 =	vlt.f32 v20, $1.000000000e+09;
	v31 =	vld [tilespmem:s21+$0x30];
	(xrf0) =	vadd.scan.msk.s32 $0xffff, v32;
	v8 =	vmovc v20  }
0x5c: {  	v32 =	vadd.s32 v19, v22;
	v19 =	vmpcnt.ones.xlane vm0;
	vm9 =	vlt.f32 v24, $1.000000000e+09;
	(xrf0) =	vadd.scan.msk.s32 $0xffff, v16  }
0x5d: {  	v22 =	vadd.s32 v32, v21;
	v16 =	vmpcnt.ones.xlane vm9;
	vm8 =	vlt.f32 v25, $1.000000000e+09;
	[tilespmem:v17+s13+$0x0] =	vst.idx.msk vm1, v11  }
0x5e: {  	v21 =	vadd.s32 v22, v19;
	v33 =	vmpcnt.ones.xlane vm8;
	vm4 =	vlt.f32 v29, $1.000000000e+09;
	[tilespmem:v17+s14+$0x0] =	vst.idx.msk vm1, v28  }
0x5f: {  	v20 =	vadd.s32 v21, v16;
	v17 =	vmpcnt.ones.xlane vm4;
	vm5 =	vlt.f32 v12, $1.000000000e+09;
	[tilespmem:v23+s13+$0x0] =	vst.idx.msk vm11, v5;
	v5 =	vmovc v24  }
0x60: {  	v16 =	vadd.s32 v20, v33;
	v19 =	vmpcnt.ones.xlane vm5;
	vm1 =	vlt.f32 v31, $1.000000000e+09;
	[tilespmem:v23+s14+$0x0] =	vst.idx.msk vm11, v26;
	v11 =	vmovc v31  }
0x61: {  	v24 =	vsel vm0, $0x1, v2;
	v17 =	vadd.s32 v16, v17;
	v26 =	vmpcnt.ones.xlane vm1;
	v28, _, _ =	vpop (xrf0);
	[tilespmem:v27+s13+$0x0] =	vst.idx.msk vm10, v7  }
.Ltmp1:
0x62: {  	v36 =	vsel vm9, $0x1, v2;
	v31 =	vsel vm8, $0x1, v2;
	v23 =	vadd.s32 v17, v19;
	v33, _, _ =	vpop (xrf0);
	(xrf0) =	vadd.scan.msk.s32 $0xffff, v24;
	(pc) =	sbr.rel @p0 .LBB2_5-.Ltmp1, $4  }
0x63: {  	v34 =	vsel vm4, $0x1, v2;
	v35 =	vsel vm5, $0x1, v2;
	v7 =	vmovc v25;
	v19 =	vadd.s32 v23, v26;
	(xrf0) =	vadd.scan.msk.s32 $0xffff, v36  }
0x64: {  	v25 =	vsel vm1, $0x1, v2;
	v15 =	vadd.s32 v28, v15;
	v24 =	vadd.s32 v33, v32;
	(xrf0) =	vadd.scan.msk.s32 $0xffff, v31  }
0x65: {  	v26 =	vadd.s32 $0xFFFFFFFF, v15;
	v24 =	vadd.s32 $0xFFFFFFFF, v24;
	(xrf0) =	vadd.scan.msk.s32 $0xffff, v34;
	[tilespmem:v27+s14+$0x0] =	vst.idx.msk vm10, v30  }
0x66: {  	vm11 =	vlt.s32 v26, $0x3FF;
	vm10 =	vlt.s32 v24, $0x3FF;
	(xrf0) =	vadd.scan.msk.s32 $0xffff, v35;
	[tilespmem:v14+s13+$0x0] =	vst.idx.msk vm7, v6;
	v6 =	vmovc v29  }
0x67: {  	_ = 	snop  }
0x68: {  	(xrf0) =	vadd.scan.msk.s32 $0xffff, v25  }
0x69: {  	v15, _, _ =	vpop (xrf0)  }
0x6a: {  	v26 =	vnsel vm11, $0x3FF, v26;
	v48 =	vnsel vm10, $0x3FF, v24;
	s21 =	sadd.s32 $0xFFFFFFF0, s22;
	s31 =	sadd.s32 $0x80, s22;
	v19, _, _ =	vpop (xrf0)  }
0x6b: {  	vm14 =	vmmov vm9;
	v50 =	vor.u32 s21, v3;
	s23 =	sadd.s32 $0xFFFFFF90, s31;
	v15 =	vadd.s32 v15, v22;
	v46, _, _ =	vpop (xrf0)  }
0x6c: {  	[tilespmem:v14+s14+$0x0] =	vst.idx.msk vm7, v18;
	s24 =	sadd.s32 $0xFFFFFFA0, s31;
	v52 =	vor.u32 s23, v3;
	v15 =	vadd.s32 $0xFFFFFFFF, v15;
	v53 =	vadd.s32 v19, v21;
	v27, _, _ =	vpop (xrf0)  }
0x6d: {  	[tilespmem:v13+s13+$0x0] =	vst.idx.msk vm6, v4;
	v55 =	vor.u32 s24, v3;
	vm12 =	vlt.s32 v15, $0x3FF;
	v54 =	vadd.s32 $0xFFFFFFFF, v53;
	v47, _, _ =	vpop (xrf0)  }
0x6e: {  	[tilespmem:v13+s14+$0x0] =	vst.idx.msk vm6, v50;
	v56 =	vadd.s32 v46, v20;
	v51 =	vnsel vm12, $0x3FF, v15;
	vm15 =	vlt.s32 v54, $0x3FF;
	v49, _, _ =	vpop (xrf0)  }
0x6f: {  	[tilespmem:v26+s13+$0x0] =	vst.idx.msk vm3, v10;
	v57 =	vadd.s32 $0xFFFFFFFF, v56;
	v58 =	vadd.s32 v27, v16;
	v4 =	vadd.s32 v49, v23  }
0x70: {  	[tilespmem:v48+s13+$0x0] =	vst.idx.msk vm2, v9;
	v10 =	vnsel vm15, $0x3FF, v54;
	vm11 =	vlt.s32 v57, $0x3FF;
	v4 =	vadd.s32 $0xFFFFFFFF, v4  }
0x71: {  	[tilespmem:v26+s14+$0x0] =	vst.idx.msk vm3, v52;
	v60 =	vadd.s32 $0xFFFFFFFF, v58;
	v9 =	vnsel vm11, $0x3FF, v57;
	vm13 =	vlt.s32 v4, $0x3FF  }
0x72: {  	s25 =	sadd.s32 $0xFFFFFFB0, s31;
	[tilespmem:v48+s14+$0x0] =	vst.idx.msk vm2, v55;
	v61 =	vadd.s32 v47, v17;
	vm12 =	vlt.s32 v60, $0x3FF;
	v4 =	vnsel vm13, $0x3FF, v4  }
0x73: {  	v59 =	vor.u32 s25, v3;
	v63 =	vadd.s32 $0xFFFFFFFF, v61;
	[tilespmem:v51+s13+$0x0] =	vst.idx.msk vm0, v8;
	v8 =	vnsel vm12, $0x3FF, v60  }
0x74: {  	vm14 =	vlt.s32 v63, $0x3FF;
	[tilespmem:v51+s14+$0x0] =	vst.idx.msk vm0, v59  }
0x75: {  	[tilespmem:v10+s13+$0x0] =	vst.idx.msk vm9, v5;
	v5 =	vnsel vm14, $0x3FF, v63  }
0x76: {  	[tilespmem:v9+s13+$0x0] =	vst.idx.msk vm8, v7  }
0x77: {  	[tilespmem:v4+s13+$0x0] =	vst.idx.msk vm1, v11  }
0x78: {  	v62 =	vor.u32 s31, v3;
	[tilespmem:v8+s13+$0x0] =	vst.idx.msk vm4, v6  }
0x79: {  	s26 =	sadd.s32 $0xFFFFFFC0, s31;
	[tilespmem:v4+s14+$0x0] =	vst.idx.msk vm1, v62  }
0x7a: {  	s28 =	sadd.s32 $0xFFFFFFD0, s31;
	v4 =	vor.u32 s26, v3;
	[tilespmem:v5+s13+$0x0] =	vst.idx.msk vm5, v12  }
0x7b: {  	s30 =	sshll.u32 s19, $0x5;
	s29 =	sadd.s32 $0xFFFFFFE0, s31;
	s23 =	sshll.u32 s20, $0x7;
	[tilespmem:v10+s14+$0x0] =	vst.idx.msk vm9, v4;
	v4 =	vor.u32 s28, v3  }
0x7c: {  	s22 =	sadd.s32 $0xFFFFFFF0, s31;
	s21 =	sand.u32 $0x60, s30;
	s23 =	sand.u32 $0x1FC00, s23;
	[tilespmem:v9+s14+$0x0] =	vst.idx.msk vm8, v4;
	v4 =	vor.u32 s29, v3  }
0x7d: {  	s21 =	sor.u32 s21, s23;
	[tilespmem:v8+s14+$0x0] =	vst.idx.msk vm4, v4;
	v4 =	vor.u32 s22, v3  }
0x7e: {  	s31 =	sadd.s32 s5, s21;
	[tilespmem:v5+s14+$0x0] =	vst.idx.msk vm5, v4  }
0x7f: {  	[hbm4b:s31+s9] =	stream.strided.scatter [tilespmem:s13], [sflag:$0x2], $0x400, s10, s9, $0x38;
	[tilespmem:$0x8800] =	vst v63  }
0x80: {  	_ =	swait.ge [sflag:s15], $0x400  }
0x81: {  	[sflag:s15] =	ssyncset.done $0x0  }
0x82: {  	s21 =	sadd.s32 s6, s21;
	[sflag:s15] =	ssyncadd.s32 $0xFFFFFC00  }
0x83: {  	[hbm4b:s21+s9] =	stream.strided.scatter [tilespmem:s14], [sflag:$0x2], $0x400, s10, s9, $0x38;
	[tilespmem:$0x8800] =	vst v63  }
0x84: {  	p0 =	seq.s32 s19, $0xF;
	_ =	swait.ge [sflag:s15], $0x400  }
0x85: {  	s20 =	sadd.s32 @!p0 $0x2, s20;
	s23 =	simm.s32 @!p0 $0x0;
	[sflag:s15] =	ssyncset.done $0x0  }
0x86: {  	s22 =	simm.s32 @!p0 $0x400;
	s21 =	sshll.u32 @!p0 s20, $0x4;
	[sflag:s15] =	ssyncadd.s32 $0xFFFFFC00  }
0x87: {  	s20 =	sshll.u32 @!p0 s20, $0xB;
	s21 =	sand.u32 @!p0 $0x60, s21;
	_ =	swait.ge [sflag:s11], $0x4000  }
0x88: {  	s20 =	sand.u32 @!p0 $0xFFFC000, s20;
	s21 =	sadd.s32 @!p0 s3, s21;
	[sflag:s11] =	ssyncset.done $0x0  }
0x89: {  	s20 =	sadd.s32 @!p0 s20, s21;
	s21 =	simm.s32 @!p0 $0x80;
	[sflag:s11] =	ssyncadd.s32 $0xFFFFC000  }
0x8a: {  	[tilespmem:s23], [sflag:$0x1] =	stream.strided.gather @!p0 [hbm4b:s20+s21], $0x4000, s22, s21, $0x38;
	[tilespmem:$0x8800] =	vst v63  }
0x8b: {  	vm10 =	vmmov vm8;
	s19 =	sadd.s32 $0x1, s19;
	vm15 =	vmmov vm5;
	vm13 =	vmmov vm4;
	s20 =	simm.s32 $0x0  }
.LBB2_7:
0x8c: {  	p0 =	sne.s32 s20, $0xFC0  }
.Ltmp2:
0x8d: {  	_ = 	snop;
	(pc) =	sbr.rel @p0 .LBB2_7-.Ltmp2, $4  }
0x8e: {  	_ = 	snop  }
0x8f: {  	s21 =	sshra.s32 s20, $0x2  }
0x90: {  	[tilespmem:s21+$0x8000] =	vst v0  }
0x91: {  	s20 =	sadd.s32 $0x40, s20;
	[tilespmem:s21+$0x8400] =	vst v1  }
0x92: {  	s20 =	simm.s32 $0x4040  }
0x93: {  	v5 =	vld [tilespmem:s20+$0xFFFFFFC0]  }
0x94: {  	v6 =	vld [tilespmem:s20+$0xFFFFFFD0]  }
0x95: {  	v11 =	vld [tilespmem:s20+$0xFFFFFFE0]  }
0x96: {  	v16 =	vld [tilespmem:s20+$0xFFFFFFF0]  }
0x97: {  	v19 =	vld [tilespmem:s20+$0x0]  }
0x98: {  	v15 =	vld [tilespmem:s20+$0x10]  }
0x99: {  	v4 =	vld [tilespmem:s20+$0x20]  }
0x9a: {  	v17 =	vld [tilespmem:s20+$0x30];
	vm3 =	vlt.f32 v5, $1.000000000e+09  }
0x9b: {  	vm2 =	vlt.f32 v6, $1.000000000e+09;
	v8 =	vsel vm3, $0x1, v2  }
0x9c: {  	v7 =	vimm.s32 $0x0;
	v10 =	vsel vm2, $0x1, v2;
	(xrf0) =	vadd.scan.msk.s32 $0xffff, v8  }
0x9d: {  	vm0 =	vlt.f32 v11, $1.000000000e+09;
	vm7 =	vlt.f32 v16, $1.000000000e+09;
	vm6 =	vlt.f32 v19, $1.000000000e+09;
	(xrf0) =	vadd.scan.msk.s32 $0xffff, v10  }
0x9e: {  	vm4 =	vlt.f32 v15, $1.000000000e+09;
	vm5 =	vlt.f32 v4, $1.000000000e+09;
	v9 =	vmpcnt.ones.xlane vm3  }
0x9f: {  	vm1 =	vlt.f32 v17, $1.000000000e+09;
	v12 =	vmpcnt.ones.xlane vm2;
	v13 =	vmpcnt.ones.xlane vm6  }
0xa0: {  	v14 =	vmpcnt.ones.xlane vm4;
	v8 =	vadd.s32 v7, v9;
	v9 =	vmpcnt.ones.xlane vm0  }
0xa1: {  	v18 =	vsel vm0, $0x1, v2;
	v10 =	vadd.s32 v8, v12;
	v12 =	vmpcnt.ones.xlane vm7  }
0xa2: {  	v20 =	vsel vm7, $0x1, v2;
	v22 =	vsel vm6, $0x1, v2;
	(xrf0) =	vadd.scan.msk.s32 $0xffff, v18;
	v9 =	vadd.s32 v10, v9;
	v21, _, _ =	vpop (xrf0)  }
0xa3: {  	v24 =	vsel vm4, $0x1, v2;
	v18 =	vmpcnt.ones.xlane vm5;
	v12 =	vadd.s32 v9, v12;
	(xrf0) =	vadd.scan.msk.s32 $0xffff, v20;
	v23, _, _ =	vpop (xrf0)  }
0xa4: {  	v13 =	vadd.s32 v12, v13;
	v7 =	vadd.s32 v21, v7;
	v8 =	vadd.s32 v23, v8  }
0xa5: {  	v14 =	vadd.s32 v13, v14;
	(xrf0) =	vadd.scan.msk.s32 $0xffff, v22;
	v7 =	vadd.s32 $0xFFFFFFFF, v7;
	v8 =	vadd.s32 $0xFFFFFFFF, v8  }
0xa6: {  	v20 =	vmpcnt.ones.xlane vm1;
	v22 =	vsel vm5, $0x1, v2;
	vm8 =	vlt.s32 v7, $0x3FF  }
0xa7: {  	v18 =	vadd.s32 v14, v18;
	(xrf0) =	vadd.scan.msk.s32 $0xffff, v24;
	vm9 =	vlt.s32 v8, $0x3FF;
	v7 =	vnsel vm8, $0x3FF, v7  }
0xa8: {  	s21 =	simm.s32 $0x70;
	s30 =	simm.s32 $0x40;
	v21 =	vsel vm1, $0x1, v2;
	v24 =	vadd.s32 v18, v20;
	(xrf0) =	vadd.scan.msk.s32 $0xffff, v22;
	v20 =	vnsel vm9, $0x3FF, v8;
	v8, _, _ =	vpop (xrf0)  }
0xa9: {  	v28 =	vor.u32 s21, v3;
	v29 =	vor.u32 s30, v3;
	(xrf0) =	vadd.scan.msk.s32 $0xffff, v21;
	v8 =	vadd.s32 v8, v10;
	v10, _, _ =	vpop (xrf0)  }
0xaa: {  	s28 =	simm.s32 $0x0;
	s29 =	simm.s32 $0x10;
	vm11 =	vmmov vm7;
	vm10 =	vmmov vm6;
	v9 =	vadd.s32 v10, v9  }
0xab: {  	v22 =	vor.u32 s29, v3;
	v21 =	vor.u32 s28, v3;
	v8 =	vadd.s32 $0xFFFFFFFF, v8;
	v10, _, _ =	vpop (xrf0)  }
0xac: {  	s22 =	simm.s32 $0x20;
	s20 =	simm.s32 $0x40C0;
	vm6 =	vlt.s32 v8, $0x3FF;
	v23 =	vadd.s32 $0xFFFFFFFF, v9;
	v10 =	vadd.s32 v10, v12;
	[tilespmem:v7+s13+$0x0] =	vst.idx.msk vm3, v5  }
0xad: {  	vm7 =	vlt.s32 v23, $0x3FF;
	v26 =	vnsel vm6, $0x3FF, v8;
	[tilespmem:v7+s14+$0x0] =	vst.idx.msk vm3, v21;
	v8 =	vld [tilespmem:s20+$0xFFFFFFE0];
	v21 =	vor.u32 s22, v3;
	v9, _, _ =	vpop (xrf0)  }
0xae: {  	v7 =	vld [tilespmem:s20+$0x0];
	v23 =	vnsel vm7, $0x3FF, v23;
	vm7 =	vmmov vm4;
	v9 =	vadd.s32 v9, v13;
	v12, _, _ =	vpop (xrf0)  }
0xaf: {  	[tilespmem:v20+s13+$0x0] =	vst.idx.msk vm2, v6;
	v6 =	vld [tilespmem:s20+$0x10];
	v13 =	vadd.s32 $0xFFFFFFFF, v10;
	v25 =	vadd.s32 $0xFFFFFFFF, v9;
	v9 =	vadd.s32 v12, v14;
	v10, _, _ =	vpop (xrf0)  }
0xb0: {  	s31 =	simm.s32 $0x50;
	vm8 =	vlt.s32 v13, $0x3FF;
	vm9 =	vlt.s32 v25, $0x3FF;
	v5 =	vadd.s32 v10, v18;
	v10 =	vld [tilespmem:s20+$0xFFFFFFC0]  }
0xb1: {  	v12 =	vadd.s32 $0xFFFFFFFF, v9;
	v9 =	vld [tilespmem:s20+$0xFFFFFFD0];
	v27 =	vnsel vm8, $0x3FF, v13;
	v18 =	vor.u32 s31, v3  }
0xb2: {  	s23 =	simm.s32 $0x30;
	vm6 =	vlt.s32 v12, $0x3FF;
	v5 =	vadd.s32 $0xFFFFFFFF, v5;
	v14 =	vnsel vm9, $0x3FF, v25  }
0xb3: {  	[tilespmem:v20+s14+$0x0] =	vst.idx.msk vm2, v22;
	v25 =	vor.u32 s23, v3;
	vm8 =	vlt.f32 v7, $1.000000000e+09;
	vm3 =	vlt.s32 v5, $0x3FF  }
0xb4: {  	[tilespmem:v26+s13+$0x0] =	vst.idx.msk vm0, v11;
	vm4 =	vlt.f32 v6, $1.000000000e+09;
	v12 =	vnsel vm6, $0x3FF, v12;
	v20 =	vnsel vm3, $0x3FF, v5;
	v5 =	vld [tilespmem:s20+$0xFFFFFFF0]  }
0xb5: {  	v13 =	vld [tilespmem:s20+$0x20];
	vm6 =	vmmov vm5;
	[tilespmem:v26+s14+$0x0] =	vst.idx.msk vm0, v21;
	vm0 =	vlt.f32 v8, $1.000000000e+09;
	vm3 =	vlt.f32 v10, $1.000000000e+09  }
0xb6: {  	[tilespmem:v23+s13+$0x0] =	vst.idx.msk vm11, v16;
	v33 =	vsel vm8, $0x1, v2;
	vm2 =	vlt.f32 v9, $1.000000000e+09;
	v22 =	vsel vm3, $0x1, v2  }
0xb7: {  	v63 =	vsel vm4, $0x1, v2;
	v30 =	vmpcnt.ones.xlane vm3;
	v21 =	vsel vm2, $0x1, v2;
	(xrf0) =	vadd.scan.msk.s32 $0xffff, v22  }
0xb8: {  	v11 =	vld [tilespmem:s20+$0x30];
	v31 =	vmpcnt.ones.xlane vm0;
	[tilespmem:v23+s14+$0x0] =	vst.idx.msk vm11, v25;
	v26 =	vmpcnt.ones.xlane vm2;
	(xrf0) =	vadd.scan.msk.s32 $0xffff, v21  }
0xb9: {  	v25 =	vsel vm0, $0x1, v2;
	[tilespmem:v27+s13+$0x0] =	vst.idx.msk vm10, v19;
	v30 =	vadd.s32 v24, v30;
	vm9 =	vlt.f32 v5, $1.000000000e+09  }
0xba: {  	vm5 =	vlt.f32 v13, $1.000000000e+09;
	[tilespmem:v27+s14+$0x0] =	vst.idx.msk vm10, v29;
	v22 =	vadd.s32 v30, v26;
	v26 =	vmpcnt.ones.xlane vm9  }
0xbb: {  	v61 =	vmpcnt.ones.xlane vm5;
	[tilespmem:v20+s13+$0x0] =	vst.idx.msk vm1, v17;
	v17 =	vmpcnt.ones.xlane vm8;
	v21 =	vadd.s32 v22, v31  }
0xbc: {  	v34 =	vsel vm5, $0x1, v2;
	[tilespmem:v20+s14+$0x0] =	vst.idx.msk vm1, v28;
	v20 =	vadd.s32 v21, v26;
	v26 =	vmpcnt.ones.xlane vm4  }
0xbd: {  	vm1 =	vlt.f32 v11, $1.000000000e+09;
	v32 =	vsel vm9, $0x1, v2;
	(xrf0) =	vadd.scan.msk.s32 $0xffff, v25;
	v16 =	vadd.s32 v20, v17;
	v62, _, _ =	vpop (xrf0)  }
0xbe: {  	[tilespmem:v14+s13+$0x0] =	vst.idx.msk vm7, v15;
	(xrf0) =	vadd.scan.msk.s32 $0xffff, v32;
	v17 =	vadd.s32 v16, v26;
	v26 =	vmpcnt.ones.xlane vm1;
	v25, _, _ =	vpop (xrf0)  }
0xbf: {  	(xrf0) =	vadd.scan.msk.s32 $0xffff, v33;
	v23 =	vadd.s32 v17, v61;
	v24 =	vadd.s32 v62, v24;
	v30 =	vadd.s32 v25, v30  }
0xc0: {  	(xrf0) =	vadd.scan.msk.s32 $0xffff, v63;
	v19 =	vadd.s32 v23, v26;
	v26 =	vadd.s32 $0xFFFFFFFF, v24;
	v24 =	vadd.s32 $0xFFFFFFFF, v30  }
0xc1: {  	s22 =	simm.s32 $0x8;
	(xrf0) =	vadd.scan.msk.s32 $0xffff, v34;
	v25 =	vsel vm1, $0x1, v2;
	vm11 =	vlt.s32 v26, $0x3FF;
	vm10 =	vlt.s32 v24, $0x3FF  }
.LBB2_9:
0xc2: {  	s22 =	sadd.s32 $0x8, s22;
	v26 =	vnsel vm11, $0x3FF, v26;
	v24 =	vnsel vm10, $0x3FF, v24;
	(xrf0) =	vadd.scan.msk.s32 $0xffff, v25;
	[tilespmem:v14+s14+$0x0] =	vst.idx.msk vm7, v18;
	s23 =	sadd.s32 $0xFFFFFFF0, s21;
	s21 =	sadd.s32 $0x80, s21;
	v15 =	vmovc v19  }
0xc3: {  	vm11 =	vmmov vm9;
	p0 =	slt.u32 s22, $0x3F8;
	s24 =	sadd.s32 $0xFFFFFF90, s21;
	v14, _, _ =	vpop (xrf0);
	[tilespmem:v12+s13+$0x0] =	vst.idx.msk vm6, v4;
	v18 =	vor.u32 s23, v3;
	v4 =	vmov v13  }
0xc4: {  	vm10 =	vmmov vm8;
	s23 =	sadd.s32 $0xFFFFFFA0, s21;
	v13 =	vor.u32 s24, v3;
	v14 =	vadd.s32 v14, v22;
	v22, _, _ =	vpop (xrf0);
	[tilespmem:v12+s14+$0x0] =	vst.idx.msk vm6, v18  }
0xc5: {  	v12 =	vor.u32 s23, v3;
	v14 =	vadd.s32 $0xFFFFFFFF, v14;
	v18 =	vadd.s32 v22, v21;
	v21, _, _ =	vpop (xrf0)  }
0xc6: {  	vm6 =	vlt.s32 v14, $0x3FF;
	v18 =	vadd.s32 $0xFFFFFFFF, v18;
	v20 =	vadd.s32 v21, v20;
	v21, _, _ =	vpop (xrf0)  }
0xc7: {  	[tilespmem:v26+s13+$0x0] =	vst.idx.msk vm3, v10;
	vm7 =	vlt.s32 v18, $0x3FF;
	v20 =	vadd.s32 $0xFFFFFFFF, v20;
	v10 =	vadd.s32 v21, v16;
	v16, _, _ =	vpop (xrf0)  }
0xc8: {  	[tilespmem:v26+s14+$0x0] =	vst.idx.msk vm3, v13;
	vm3 =	vlt.s32 v20, $0x3FF;
	v13 =	vadd.s32 $0xFFFFFFFF, v10;
	v10 =	vadd.s32 v16, v17;
	v16, _, _ =	vpop (xrf0)  }
0xc9: {  	s20 =	sadd.s32 $0x80, s20;
	[tilespmem:v24+s13+$0x0] =	vst.idx.msk vm2, v9;
	vm8 =	vlt.s32 v13, $0x3FF;
	v17 =	vadd.s32 $0xFFFFFFFF, v10;
	v9 =	vadd.s32 v16, v23  }
0xca: {  	v16 =	vnsel vm6, $0x3FF, v14;
	v10 =	vld [tilespmem:s20+$0xFFFFFFC0];
	[tilespmem:v24+s14+$0x0] =	vst.idx.msk vm2, v12;
	vm2 =	vlt.s32 v17, $0x3FF;
	v21 =	vadd.s32 $0xFFFFFFFF, v9  }
0xcb: {  	v23 =	vnsel vm7, $0x3FF, v18;
	v27 =	vnsel vm3, $0x3FF, v20;
	v9 =	vld [tilespmem:s20+$0xFFFFFFD0];
	vm3 =	vlt.s32 v21, $0x3FF  }
0xcc: {  	v14 =	vnsel vm8, $0x3FF, v13;
	v12 =	vnsel vm2, $0x3FF, v17;
	v20 =	vld [tilespmem:s20+$0xFFFFFFE0];
	v17 =	vnsel vm3, $0x3FF, v21  }
0xcd: {  	s23 =	sadd.s32 $0xFFFFFFB0, s21;
	s24 =	sadd.s32 $0xFFFFFFC0, s21;
	vm7 =	vmmov vm4;
	vm6 =	vmmov vm5;
	v24 =	vld [tilespmem:s20+$0xFFFFFFF0]  }
0xce: {  	v28 =	vor.u32 s21, v3;
	v26 =	vor.u32 s24, v3;
	s24 =	sadd.s32 $0xFFFFFFE0, s21;
	v21 =	vor.u32 s23, v3;
	s23 =	sadd.s32 $0xFFFFFFD0, s21;
	v25 =	vld [tilespmem:s20+$0x0]  }
0xcf: {  	v18 =	vor.u32 s24, v3;
	v30 =	vor.u32 s23, v3;
	vm3 =	vlt.f32 v10, $1.000000000e+09;
	v29 =	vld [tilespmem:s20+$0x10];
	[tilespmem:v16+s13+$0x0] =	vst.idx.msk vm0, v8  }
0xd0: {  	v32 =	vsel vm3, $0x1, v2;
	v22 =	vmpcnt.ones.xlane vm3;
	vm2 =	vlt.f32 v9, $1.000000000e+09;
	v13 =	vld [tilespmem:s20+$0x20];
	[tilespmem:v16+s14+$0x0] =	vst.idx.msk vm0, v21  }
0xd1: {  	v16 =	vsel vm2, $0x1, v2;
	v21 =	vmpcnt.ones.xlane vm2;
	vm0 =	vlt.f32 v20, $1.000000000e+09;
	v31 =	vld [tilespmem:s20+$0x30];
	(xrf0) =	vadd.scan.msk.s32 $0xffff, v32;
	v8 =	vmovc v20  }
0xd2: {  	v32 =	vadd.s32 v19, v22;
	v19 =	vmpcnt.ones.xlane vm0;
	vm9 =	vlt.f32 v24, $1.000000000e+09;
	(xrf0) =	vadd.scan.msk.s32 $0xffff, v16  }
0xd3: {  	v22 =	vadd.s32 v32, v21;
	v16 =	vmpcnt.ones.xlane vm9;
	vm8 =	vlt.f32 v25, $1.000000000e+09;
	[tilespmem:v17+s13+$0x0] =	vst.idx.msk vm1, v11  }
0xd4: {  	v21 =	vadd.s32 v22, v19;
	v33 =	vmpcnt.ones.xlane vm8;
	vm4 =	vlt.f32 v29, $1.000000000e+09;
	[tilespmem:v17+s14+$0x0] =	vst.idx.msk vm1, v28  }
0xd5: {  	v20 =	vadd.s32 v21, v16;
	v17 =	vmpcnt.ones.xlane vm4;
	vm5 =	vlt.f32 v13, $1.000000000e+09;
	[tilespmem:v23+s13+$0x0] =	vst.idx.msk vm11, v5;
	v5 =	vmovc v24  }
0xd6: {  	v16 =	vadd.s32 v20, v33;
	v19 =	vmpcnt.ones.xlane vm5;
	vm1 =	vlt.f32 v31, $1.000000000e+09;
	[tilespmem:v23+s14+$0x0] =	vst.idx.msk vm11, v26;
	v11 =	vmovc v31  }
0xd7: {  	v24 =	vsel vm0, $0x1, v2;
	v17 =	vadd.s32 v16, v17;
	v26 =	vmpcnt.ones.xlane vm1;
	v28, _, _ =	vpop (xrf0);
	[tilespmem:v27+s13+$0x0] =	vst.idx.msk vm10, v7  }
.Ltmp3:
0xd8: {  	v36 =	vsel vm9, $0x1, v2;
	v31 =	vsel vm8, $0x1, v2;
	v23 =	vadd.s32 v17, v19;
	v33, _, _ =	vpop (xrf0);
	(xrf0) =	vadd.scan.msk.s32 $0xffff, v24;
	(pc) =	sbr.rel @p0 .LBB2_9-.Ltmp3, $4  }
0xd9: {  	v34 =	vsel vm4, $0x1, v2;
	v35 =	vsel vm5, $0x1, v2;
	v7 =	vmovc v25;
	v19 =	vadd.s32 v23, v26;
	(xrf0) =	vadd.scan.msk.s32 $0xffff, v36  }
0xda: {  	v25 =	vsel vm1, $0x1, v2;
	v15 =	vadd.s32 v28, v15;
	v24 =	vadd.s32 v33, v32;
	(xrf0) =	vadd.scan.msk.s32 $0xffff, v31  }
0xdb: {  	v26 =	vadd.s32 $0xFFFFFFFF, v15;
	v24 =	vadd.s32 $0xFFFFFFFF, v24;
	(xrf0) =	vadd.scan.msk.s32 $0xffff, v34;
	[tilespmem:v27+s14+$0x0] =	vst.idx.msk vm10, v30  }
0xdc: {  	vm11 =	vlt.s32 v26, $0x3FF;
	vm10 =	vlt.s32 v24, $0x3FF;
	(xrf0) =	vadd.scan.msk.s32 $0xffff, v35;
	[tilespmem:v14+s13+$0x0] =	vst.idx.msk vm7, v6;
	v6 =	vmovc v29  }
0xdd: {  	_ = 	snop  }
0xde: {  	(xrf0) =	vadd.scan.msk.s32 $0xffff, v25  }
0xdf: {  	v15, _, _ =	vpop (xrf0)  }
0xe0: {  	v26 =	vnsel vm11, $0x3FF, v26;
	v48 =	vnsel vm10, $0x3FF, v24;
	s20 =	sadd.s32 $0xFFFFFFF0, s21;
	s22 =	sadd.s32 $0x80, s21;
	v19, _, _ =	vpop (xrf0)  }
0xe1: {  	vm14 =	vmmov vm9;
	v50 =	vor.u32 s20, v3;
	s23 =	sadd.s32 $0xFFFFFF90, s22;
	v15 =	vadd.s32 v15, v22;
	v46, _, _ =	vpop (xrf0)  }
0xe2: {  	[tilespmem:v14+s14+$0x0] =	vst.idx.msk vm7, v18;
	s24 =	sadd.s32 $0xFFFFFFA0, s22;
	v52 =	vor.u32 s23, v3;
	v15 =	vadd.s32 $0xFFFFFFFF, v15;
	v53 =	vadd.s32 v19, v21;
	v27, _, _ =	vpop (xrf0)  }
0xe3: {  	[tilespmem:v12+s13+$0x0] =	vst.idx.msk vm6, v4;
	v55 =	vor.u32 s24, v3;
	vm12 =	vlt.s32 v15, $0x3FF;
	v54 =	vadd.s32 $0xFFFFFFFF, v53;
	v47, _, _ =	vpop (xrf0)  }
0xe4: {  	[tilespmem:v12+s14+$0x0] =	vst.idx.msk vm6, v50;
	v56 =	vadd.s32 v46, v20;
	v51 =	vnsel vm12, $0x3FF, v15;
	vm15 =	vlt.s32 v54, $0x3FF;
	v49, _, _ =	vpop (xrf0)  }
0xe5: {  	[tilespmem:v26+s13+$0x0] =	vst.idx.msk vm3, v10;
	v57 =	vadd.s32 $0xFFFFFFFF, v56;
	v58 =	vadd.s32 v27, v16;
	v4 =	vadd.s32 v49, v23  }
0xe6: {  	[tilespmem:v48+s13+$0x0] =	vst.idx.msk vm2, v9;
	v10 =	vnsel vm15, $0x3FF, v54;
	vm11 =	vlt.s32 v57, $0x3FF;
	v4 =	vadd.s32 $0xFFFFFFFF, v4  }
0xe7: {  	[tilespmem:v26+s14+$0x0] =	vst.idx.msk vm3, v52;
	v60 =	vadd.s32 $0xFFFFFFFF, v58;
	v9 =	vnsel vm11, $0x3FF, v57;
	vm13 =	vlt.s32 v4, $0x3FF  }
0xe8: {  	s25 =	sadd.s32 $0xFFFFFFB0, s22;
	[tilespmem:v48+s14+$0x0] =	vst.idx.msk vm2, v55;
	v61 =	vadd.s32 v47, v17;
	vm12 =	vlt.s32 v60, $0x3FF;
	v4 =	vnsel vm13, $0x3FF, v4  }
0xe9: {  	v59 =	vor.u32 s25, v3;
	v63 =	vadd.s32 $0xFFFFFFFF, v61;
	[tilespmem:v51+s13+$0x0] =	vst.idx.msk vm0, v8;
	v8 =	vnsel vm12, $0x3FF, v60  }
0xea: {  	vm14 =	vlt.s32 v63, $0x3FF;
	[tilespmem:v51+s14+$0x0] =	vst.idx.msk vm0, v59  }
0xeb: {  	[tilespmem:v10+s13+$0x0] =	vst.idx.msk vm9, v5;
	v5 =	vnsel vm14, $0x3FF, v63  }
0xec: {  	[tilespmem:v9+s13+$0x0] =	vst.idx.msk vm8, v7  }
0xed: {  	[tilespmem:v4+s13+$0x0] =	vst.idx.msk vm1, v11  }
0xee: {  	v62 =	vor.u32 s22, v3;
	[tilespmem:v8+s13+$0x0] =	vst.idx.msk vm4, v6  }
0xef: {  	s26 =	sadd.s32 $0xFFFFFFC0, s22;
	[tilespmem:v4+s14+$0x0] =	vst.idx.msk vm1, v62  }
0xf0: {  	s28 =	sadd.s32 $0xFFFFFFD0, s22;
	v4 =	vor.u32 s26, v3;
	[tilespmem:v5+s13+$0x0] =	vst.idx.msk vm5, v13  }
0xf1: {  	s18 =	sshll.u32 s18, $0xD;
	s29 =	sadd.s32 $0xFFFFFFE0, s22;
	[tilespmem:v10+s14+$0x0] =	vst.idx.msk vm9, v4;
	v4 =	vor.u32 s28, v3  }
0xf2: {  	s30 =	sadd.s32 $0xFFFFFFF0, s22;
	s17 =	sor.u32 s17, s18;
	[tilespmem:v9+s14+$0x0] =	vst.idx.msk vm8, v4;
	v4 =	vor.u32 s29, v3  }
0xf3: {  	s17 =	sshrl.u32 s17, $0x3;
	[tilespmem:v8+s14+$0x0] =	vst.idx.msk vm4, v4;
	v4 =	vor.u32 s30, v3  }
0xf4: {  	s31 =	sadd.s32 s5, s17;
	[tilespmem:v5+s14+$0x0] =	vst.idx.msk vm5, v4  }
0xf5: {  	[hbm4b:s31+s9] =	stream.strided.scatter [tilespmem:s13], [sflag:$0x2], $0x400, s10, s9, $0x38;
	[tilespmem:$0x8800] =	vst v63  }
0xf6: {  	_ =	swait.ge [sflag:s15], $0x400  }
0xf7: {  	p0 =	sne.s32 s19, $0x10;
	[sflag:s15] =	ssyncset.done $0x0  }
.Ltmp4:
0xf8: {  	s17 =	sadd.s32 s6, s17;
	[sflag:s15] =	ssyncadd.s32 $0xFFFFFC00;
	(pc) =	sbr.rel @p0 .LBB2_2-.Ltmp4, $4  }
0xf9: {  	[hbm4b:s17+s9] =	stream.strided.scatter [tilespmem:s14], [sflag:$0x2], $0x400, s10, s9, $0x38;
	[tilespmem:$0x8800] =	vst v63  }
0xfa: {  	_ =	swait.ge [sflag:s15], $0x400  }
0xfb: {  	[sflag:s15] =	ssyncset.done $0x0  }
0xfc: {  	vm10 =	vmmov vm8;
	vm15 =	vmmov vm5;
	vm13 =	vmmov vm4;
	[sflag:s15] =	ssyncadd.s32 $0xFFFFFC00  }
0xfd: {  	s16 =	sadd.s32 $0x1, s16  }
0xfe: {  	p0 =	sne.s32 s16, s8  }
.Ltmp5:
0xff: {  	_ = 	snop;
	(pc) =	sbr.rel @p0 .LBB2_1-.Ltmp5, $1  }
0x100: {  	_ =	sdelay $0x3  }
0x101: {  	_ =	sfence.sel $0x180000  }
0x102: {  	[bflag:$0x0] =	sbarrier.arrive $0xFFFF  }
0x103: {  	p0 =	sne.s32 s1, $0x0;
	_ =	strace $0x90000047  }
0x104: {  	s0 =	sadd.s32 @!p0 $0x100000, s0;
	[bflag:$0x2] =	sbarrier.arrive $0xFFFF  }
0x105: {  	[sflag:s0] =	ssyncadd.tile.s32 @!p0 $0x1;
	_ =	shalt  }
.Lfunc_end2:
_tile_overlayer_lowered:
.L_overlay_start_2:
0x106: {  	(tag) =	ssettag $0x2  }
0x107: {  	s0 =	rddreg [dreg:$0x0];
	s2 =	stileid.u32  }
0x108: {  	s1 =	rddreg [dreg:$0x1];
	p0 =	sne.s32 s2, $0x0  }
0x109: {  	s3 =	rddreg [dreg:$0x2];
	[bflag:$0x3] =	sbarrier.arrive $0xFFFF;
	s2 =	simm.s32 @!p0 $0x1C02  }
0x10a: {  	[timem:s3], [sflag:s2] =	dma.local @!p0 [hbm:s0], s1  }
0x10b: {  	s0 =	simm.s32 @!p0 $0x2  }
0x10c: {  	_ =	swait.ge @!p0 [sflag:s0], s1  }
0x10d: {  	s1 =	ssub.s32 @!p0 $0x0, s1;
	[sflag:s0] =	ssyncset.done @!p0 $0x0  }
0x10e: {  	[sflag:s0] =	ssyncadd.s32 @!p0 s1  }
0x10f: {  	[bflag:$0x3] =	sbarrier.arrive $0xFFFF  }
0x110: {  	_ =	shalt  }

</sc_bundles>
